<compile_context>
chip_gen: v7x
topology: tpu7x:2x2x1
jax: 0.10.2.dev20260603
libtpu: 0.0.44.dev20260713+nightly
codegen_flags: <defaults>
</compile_context>

<pallas_src>
import functools

import jax
import jax.numpy as jnp
from jax import lax
from jax.experimental import pallas as pl
from jax.experimental.pallas import tpu as pltpu
from jax.experimental.pallas import tpu_sc as plsc

NC = 2
NS = 16
LANES = 16
BLK = 128
KBUF = 6
LAG = 3
RB = 2048

def _mesh():
    return plsc.VectorSubcoreMesh(core_axis_name="c", subcore_axis_name="s")


def _pad_edges(src, dst, n, npad):
    e = src.shape[0]
    ept = -(-e // (NS * BLK)) * BLK
    pad = NS * ept - e
    k = jnp.arange(pad, dtype=jnp.int32)
    src_p = jnp.concatenate([src, k % 64]).reshape(NS, ept // BLK, BLK)
    dst_p = jnp.concatenate([dst, n + k % (npad - n)])
    src2 = jnp.stack([2 * src_p, 2 * src_p + 1])
    return src2, dst_p.reshape(NS, ept // BLK, BLK), ept // BLK


def _deg_kernel(dst2, rpt, npad):
    rows_per_tile = npad // NS

    @functools.partial(
        pl.kernel,
        out_type=jax.ShapeDtypeStruct((NC, npad), jnp.float32),
        mesh=_mesh(),
        scratch_types=[
            pltpu.VMEM((rpt, BLK), jnp.int32),
            pltpu.VMEM((rows_per_tile,), jnp.float32),
            pltpu.VMEM((BLK,), jnp.float32),
            pltpu.VMEM_SHARED((npad,), jnp.float32),
        ],
    )
    def k(dst_hbm, out_hbm, idx_v, zb_v, ones_v, acc_sh):
        cid = lax.axis_index("c")
        sid = lax.axis_index("s")

        @pl.loop(0, rows_per_tile, step=LANES)
        def _(i):
            zb_v[pl.ds(i, LANES)] = jnp.zeros((LANES,), jnp.float32)

        @pl.loop(0, BLK, step=LANES)
        def _(i):
            ones_v[pl.ds(i, LANES)] = jnp.ones((LANES,), jnp.float32)

        pltpu.sync_copy(zb_v, acc_sh.at[pl.ds(sid * rows_per_tile, rows_per_tile)])
        plsc.subcore_barrier()

        pltpu.sync_copy(dst_hbm.at[sid], idx_v)

        @pl.loop(0, rpt)
        def _(j):
            @pl.when(lax.rem(j, 2) == cid)
            def _():
                pltpu.sync_copy(ones_v, acc_sh.at[idx_v.at[j]], add=True)

        plsc.subcore_barrier()
        pltpu.sync_copy(
            acc_sh.at[pl.ds(sid * rows_per_tile, rows_per_tile)],
            out_hbm.at[cid, pl.ds(sid * rows_per_tile, rows_per_tile)],
        )

    return k(dst2)


def _edge_kernel(g2n, src2, dst2, rpt, npad):
    dh = g2n.shape[1]
    rows_per_tile = npad // NS
    zchunks = rows_per_tile // BLK

    @functools.partial(
        pl.kernel,
        out_type=jax.ShapeDtypeStruct((NC, npad, 2 * dh), jnp.float32),
        mesh=_mesh(),
        compiler_params=pltpu.CompilerParams(use_tc_tiling_on_sc=False),
        scratch_types=[
            pltpu.VMEM((rpt, BLK), jnp.int32),
            pltpu.VMEM((rpt, BLK), jnp.int32),
            pltpu.VMEM((KBUF, BLK, dh), jnp.float32),
            pltpu.VMEM_SHARED((npad, dh), jnp.float32),
            pltpu.SemaphoreType.DMA,
            pltpu.SemaphoreType.DMA,
            pltpu.SemaphoreType.DMA,
        ],
    )
    def k(g_hbm, src_hbm, dst_hbm, out_hbm, src_v, dst_v, rows_v, acc_sh,
          gsem, ssem, hsem):
        cid = lax.axis_index("c")
        sid = lax.axis_index("s")

        pltpu.async_copy(src_hbm.at[cid, sid], src_v, hsem)
        pltpu.async_copy(dst_hbm.at[sid], dst_v, hsem)

        zb_v = rows_v.at[0]

        @pl.loop(0, BLK)
        def _(r):
            @pl.loop(0, dh, step=LANES)
            def _(c2):
                zb_v[r, pl.ds(c2, LANES)] = jnp.zeros((LANES,), jnp.float32)

        @pl.loop(0, zchunks)
        def _(q):
            pltpu.async_copy(zb_v, acc_sh.at[pl.ds(sid * rows_per_tile + q * BLK, BLK)],
                             ssem)

        @pl.loop(0, zchunks)
        def _(q):
            pltpu.make_async_copy(zb_v,
                                  acc_sh.at[pl.ds(sid * rows_per_tile + q * BLK, BLK)],
                                  ssem).wait()
        pltpu.make_async_copy(src_hbm.at[cid, sid], src_v, hsem).wait()
        pltpu.make_async_copy(dst_hbm.at[sid], dst_v, hsem).wait()

        plsc.subcore_barrier()

        def fire_g(j):
            pltpu.async_copy(g_hbm.at[src_v.at[j]],
                             rows_v.at[lax.rem(j, KBUF)], gsem)

        def wait_g(j):
            pltpu.make_async_copy(g_hbm.at[src_v.at[j]],
                                  rows_v.at[lax.rem(j, KBUF)], gsem).wait()

        def fire_s(j):
            pltpu.async_copy(rows_v.at[lax.rem(j, KBUF)],
                             acc_sh.at[dst_v.at[j]], ssem, add=True)

        def wait_s(j):
            pltpu.make_async_copy(rows_v.at[lax.rem(j, KBUF)],
                                  acc_sh.at[dst_v.at[j]], ssem).wait()

        @pl.loop(0, KBUF)
        def _(p):
            fire_g(p)

        @pl.loop(0, rpt)
        def _(j):
            wait_g(j)
            fire_s(j)

            @pl.when(j >= LAG)
            def _():
                wait_s(j - LAG)

                @pl.when(j + KBUF - LAG < rpt)
                def _():
                    fire_g(j + KBUF - LAG)

        @pl.loop(rpt - LAG, rpt)
        def _(j):
            wait_s(j)

        plsc.subcore_barrier()

        @pl.loop(0, zchunks)
        def _(q):
            r0 = sid * rows_per_tile + q * BLK
            pltpu.async_copy(acc_sh.at[pl.ds(r0, BLK)],
                             out_hbm.at[cid, pl.ds(r0, BLK), pl.ds(0, dh)], hsem)

        @pl.loop(0, zchunks)
        def _(q):
            r0 = sid * rows_per_tile + q * BLK
            pltpu.make_async_copy(acc_sh.at[pl.ds(r0, BLK)],
                                  out_hbm.at[cid, pl.ds(r0, BLK), pl.ds(0, dh)],
                                  hsem).wait()

    return k(g2n, src2, dst2)


def _layer1_tc(degp, x, w):
    n, d = x.shape
    dh = d // 2

    def body(deg_ref, x_ref, w_ref, g_ref, dinv_ref):
        deg = deg_ref[0, :] + deg_ref[1, :] + 1.0
        dinv = lax.rsqrt(deg)
        h = jnp.dot(x_ref[...], w_ref[...],
                    preferred_element_type=jnp.float32,
                    precision=lax.Precision.HIGHEST)
        g_ref[...] = h * dinv[:, None]
        dinv_ref[...] = dinv[:, None]

    return pl.pallas_call(
        body,
        grid=(pl.cdiv(n, RB),),
        in_specs=[pl.BlockSpec((NC, RB), lambda i: (0, i)),
                  pl.BlockSpec((RB, d), lambda i: (i, 0)),
                  pl.BlockSpec((d, d), lambda i: (0, 0))],
        out_specs=[pl.BlockSpec((RB, d), lambda i: (i, 0)),
                   pl.BlockSpec((RB, 1), lambda i: (i, 0))],
        out_shape=[jax.ShapeDtypeStruct((n, d), jnp.float32),
                   jax.ShapeDtypeStruct((n, 1), jnp.float32)],
    )(degp, x, w)


def _mid_tc(s, g, dinv, b, w):
    n, d = g.shape
    dh = d // 2

    def body(s_ref, g_ref, dinv_ref, b_ref, w_ref, o_ref):
        sfull = jnp.concatenate([s_ref[0][:, :dh], s_ref[1][:, :dh]], axis=1)
        t = (sfull + g_ref[...]) * dinv_ref[...] + b_ref[...]
        h = jnp.maximum(t, 0.0)
        o_ref[...] = jnp.dot(h, w_ref[...], preferred_element_type=jnp.float32,
                             precision=lax.Precision.HIGHEST) * dinv_ref[...]

    return pl.pallas_call(
        body,
        grid=(pl.cdiv(n, RB),),
        in_specs=[pl.BlockSpec((NC, RB, d), lambda i: (0, i, 0)),
                  pl.BlockSpec((RB, d), lambda i: (i, 0)),
                  pl.BlockSpec((RB, 1), lambda i: (i, 0)),
                  pl.BlockSpec((1, d), lambda i: (0, 0)),
                  pl.BlockSpec((d, d), lambda i: (0, 0))],
        out_specs=pl.BlockSpec((RB, d), lambda i: (i, 0)),
        out_shape=jax.ShapeDtypeStruct((n, d), jnp.float32),
    )(s, g, dinv, b.reshape(1, d), w)


def _final_tc(s, g, dinv, b):
    n, d = g.shape
    dh = d // 2

    def body(s_ref, g_ref, dinv_ref, b_ref, o_ref):
        sfull = jnp.concatenate([s_ref[0][:, :dh], s_ref[1][:, :dh]], axis=1)
        o_ref[...] = (sfull + g_ref[...]) * dinv_ref[...] + b_ref[...]

    return pl.pallas_call(
        body,
        grid=(pl.cdiv(n, RB),),
        in_specs=[pl.BlockSpec((NC, RB, d), lambda i: (0, i, 0)),
                  pl.BlockSpec((RB, d), lambda i: (i, 0)),
                  pl.BlockSpec((RB, 1), lambda i: (i, 0)),
                  pl.BlockSpec((1, d), lambda i: (0, 0))],
        out_specs=pl.BlockSpec((RB, d), lambda i: (i, 0)),
        out_shape=jax.ShapeDtypeStruct((n, d), jnp.float32),
    )(s, g, dinv, b.reshape(1, d))


def kernel(x, edge_index, W1, b1, W2, b2):
    n, d = x.shape
    npad = -(-(n + 1) // (NS * BLK)) * (NS * BLK)

    src2, dst2, rpt = _pad_edges(edge_index[0], edge_index[1], n, npad)

    degp = _deg_kernel(dst2, rpt, npad)
    g1, dinv = _layer1_tc(degp, x, W1)

    dh = d // 2
    s1 = _edge_kernel(g1.reshape(2 * n, dh), src2, dst2, rpt, npad)
    g2 = _mid_tc(s1, g1, dinv, b1, W2)

    s2 = _edge_kernel(g2.reshape(2 * n, dh), src2, dst2, rpt, npad)
    return _final_tc(s2, g2, dinv, b2)

# --- scband reference (transcript-rebuilt; emitter-appended) ---
"""Pipeline reference for scband-gnnmodel-29661044146262 (READ-ONLY COPY).

The authoritative reference and input builder live on the scoring server;
editing this copy changes nothing except your own understanding.
"""

import jax, jax.numpy as jnp
import numpy as np

N = 10000
E = 320000
D_IN = 128
D_HID = 128
D_OUT = 128


def _glorot(key, shape):
    fan_in, fan_out = shape[0], shape[1]
    limit = np.sqrt(6.0 / (fan_in + fan_out))
    return jax.random.uniform(key, shape, jnp.float32, -limit, limit)


def setup_inputs(seed: int = 0) -> dict:
    key = jax.random.key(seed)
    k1, k2, k3, k4 = jax.random.split(key, 4)
    x = jax.random.normal(k1, (N, D_IN), jnp.float32)
    edge_index = jax.random.randint(k2, (2, E), 0, N, dtype=jnp.int32)
    W1 = _glorot(k3, (D_IN, D_HID))
    b1 = jnp.zeros((D_HID,), jnp.float32)
    W2 = _glorot(k4, (D_HID, D_OUT))
    b2 = jnp.zeros((D_OUT,), jnp.float32)
    return {"x": x, "edge_index": edge_index, "W1": W1, "b1": b1, "W2": W2, "b2": b2}


def _gcn_conv(x, src, dst, W, b, num_nodes):
    # PyG GCNConv: h = x @ W; symmetric norm with self-loops; out = scatter_add + bias
    h = x @ W
    ones = jnp.ones(src.shape[0], dtype=h.dtype)
    deg = jax.ops.segment_sum(ones, dst, num_segments=num_nodes)
    deg_inv_sqrt = jnp.where(deg > 0, jax.lax.rsqrt(jnp.maximum(deg, 1e-12)), 0.0)
    norm = deg_inv_sqrt[src] * deg_inv_sqrt[dst]
    msg = h[src] * norm[:, None]
    out = jax.ops.segment_sum(msg, dst, num_segments=num_nodes)
    return out + b


def reference(x, edge_index, W1, b1, W2, b2):
    num_nodes = x.shape[0]
    loop = jnp.arange(num_nodes, dtype=edge_index.dtype)
    src = jnp.concatenate([edge_index[0], loop])
    dst = jnp.concatenate([edge_index[1], loop])
    h = _gcn_conv(x, src, dst, W1, b1, num_nodes)
    h = jax.nn.relu(h)
    out = _gcn_conv(h, src, dst, W2, b2, num_nodes)
    return out

if __name__ == "__main__":
    import jax
    _d = setup_inputs()
    print(jax.jit(kernel)(*tuple(_d.values())))

</pallas_src>

<mosaic_0001>
#map = affine_map<(d0, d1) -> (0, 0, 0)>
#map1 = affine_map<(d0, d1) -> (0, 0)>
module attributes {stable_mosaic.version = 14 : i64} {
  func.func @k(%arg0: i32, %arg1: i32, %arg2: memref<16x157x128xi32, #tpu.memory_space<hbm>>, %arg3: memref<2x10240xf32, #tpu.memory_space<hbm>>, %arg4: memref<157x128xi32, #tpu.memory_space<vmem>>, %arg5: memref<640xf32, #tpu.memory_space<vmem>>, %arg6: memref<128xf32, #tpu.memory_space<vmem>>, %arg7: memref<10240xf32, #tpu.memory_space<vmem_shared>>) attributes {dimension_semantics = [#tpu.dimension_semantics<core_parallel>, #tpu.dimension_semantics<subcore_parallel>], iteration_bounds = array<i64: 2, 16>, scalar_prefetch = 0 : i64, scratch_operands = 4 : i64, tpu.core_type = #tpu.core_type<sc_vector_subcore>, window_params = [{transform_indices = #map}, {transform_indices = #map1}]} {
    %scan3A = arith.constant 0 : i32
    %scan3A_0 = arith.constant 40 : i32
    %scan3A_1 = arith.addi %scan3A, %scan3A_0 : i32
    %scan3A_2 = arith.constant 1 : i32
    scf.for %scan3A_20 = %scan3A to %scan3A_1 step %scan3A_2  : i32 {
      %mul3A_21 = arith.constant 16 : i32
      %mul3A_22 = arith.muli %scan3A_20, %mul3A_21 : i32
      %add3A = arith.constant 0 : i32
      %add3A_23 = arith.addi %add3A, %mul3A_22 : i32
      %broadcast_in_dim3A = arith.constant 0.000000e+00 : f32
      %broadcast_in_dim3A_24 = vector.broadcast %broadcast_in_dim3A : f32 to vector<16xf32>
      %swap3A = arith.index_cast %add3A_23 : i32 to index
      %swap3A_25 = tpu.vector_load %arg5[%swap3A] {strides = array<i32>} : memref<640xf32, #tpu.memory_space<vmem>>, vector<16xf32>,
      %swap3A_26 = vector.shape_cast %swap3A_25 : vector<16xf32> to vector<16xf32>
      %swap3A_27 = vector.shape_cast %broadcast_in_dim3A_24 : vector<16xf32> to vector<16xf32>
      tpu.vector_store %arg5[%swap3A], %swap3A_27 {strides = array<i32>} : memref<640xf32, #tpu.memory_space<vmem>>, vector<16xf32>,
    }
    %scan3A_3 = arith.constant 40 : i32
    %scan3A_4 = arith.constant 0 : i32
    %scan3A_5 = arith.constant 8 : i32
    %scan3A_6 = arith.addi %scan3A_4, %scan3A_5 : i32
    %scan3A_7 = arith.constant 1 : i32
    scf.for %scan3A_20 = %scan3A_4 to %scan3A_6 step %scan3A_7  : i32 {
      %mul3A_21 = arith.constant 16 : i32
      %mul3A_22 = arith.muli %scan3A_20, %mul3A_21 : i32
      %add3A = arith.constant 0 : i32
      %add3A_23 = arith.addi %add3A, %mul3A_22 : i32
      %broadcast_in_dim3A = arith.constant 1.000000e+00 : f32
      %broadcast_in_dim3A_24 = vector.broadcast %broadcast_in_dim3A : f32 to vector<16xf32>
      %swap3A = arith.index_cast %add3A_23 : i32 to index
      %swap3A_25 = tpu.vector_load %arg6[%swap3A] {strides = array<i32>} : memref<128xf32, #tpu.memory_space<vmem>>, vector<16xf32>,
      %swap3A_26 = vector.shape_cast %swap3A_25 : vector<16xf32> to vector<16xf32>
      %swap3A_27 = vector.shape_cast %broadcast_in_dim3A_24 : vector<16xf32> to vector<16xf32>
      tpu.vector_store %arg6[%swap3A], %swap3A_27 {strides = array<i32>} : memref<128xf32, #tpu.memory_space<vmem>>, vector<16xf32>,
    }
    %scan3A_8 = arith.constant 8 : i32
    %mul3A = arith.constant 640 : i32
    %mul3A_9 = arith.muli %arg1, %mul3A : i32
    "tpu.region"() ({
      %run_scoped3A = tpu.sem_alloc : memref<!tpu.dma_semaphore, #tpu.memory_space<semaphore_mem>>
      %dma_start3A = tpu.memref_slice %arg7[%mul3A_9] : memref<10240xf32, #tpu.memory_space<vmem_shared>> -> memref<640xf32, #tpu.memory_space<vmem_shared>>
      %dma_start3A_20 = tpu.memref_slice %arg7[%mul3A_9] : memref<10240xf32, #tpu.memory_space<vmem_shared>> -> memref<640xf32, #tpu.memory_space<vmem_shared>>
      tpu.enqueue_dma source(%arg5 : memref<640xf32, #tpu.memory_space<vmem>>) target(%dma_start3A_20 : memref<640xf32, #tpu.memory_space<vmem_shared>>) target_semaphore(%run_scoped3A : memref<!tpu.dma_semaphore, #tpu.memory_space<semaphore_mem>>)
      %dma_wait3A = tpu.memref_slice %arg7[%mul3A_9] : memref<10240xf32, #tpu.memory_space<vmem_shared>> -> memref<640xf32, #tpu.memory_space<vmem_shared>>
      %dma_wait3A_21 = tpu.memref_slice %arg7[%mul3A_9] : memref<10240xf32, #tpu.memory_space<vmem_shared>> -> memref<640xf32, #tpu.memory_space<vmem_shared>>
      tpu.wait_dma2 semaphore(%run_scoped3A : memref<!tpu.dma_semaphore, #tpu.memory_space<semaphore_mem>>) src(%arg5 : memref<640xf32, #tpu.memory_space<vmem>>) dst(%dma_wait3A_21 : memref<640xf32, #tpu.memory_space<vmem_shared>>)
      tpu.yield
    }) : () -> ()
    %barrier3A = arith.constant 0 : index
    tpu.barrier barrier_id(%barrier3A)
    "tpu.region"() ({
      %run_scoped3A = tpu.sem_alloc : memref<!tpu.dma_semaphore, #tpu.memory_space<semaphore_mem>>
      %dma_start3A = arith.constant 0 : i32
      %dma_start3A_20 = arith.constant 0 : i32
      %dma_start3A_21 = tpu.memref_slice %arg2[%arg1, %dma_start3A, %dma_start3A_20] : memref<16x157x128xi32, #tpu.memory_space<hbm>> -> memref<1x157x128xi32, #tpu.memory_space<hbm>>
      %dma_start3A_22 = tpu.memref_squeeze %dma_start3A_21 : memref<1x157x128xi32, #tpu.memory_space<hbm>> -> memref<157x128xi32, #tpu.memory_space<hbm>>
      %dma_start3A_23 = arith.constant 0 : i32
      %dma_start3A_24 = arith.constant 0 : i32
      %dma_start3A_25 = tpu.memref_slice %arg2[%arg1, %dma_start3A_23, %dma_start3A_24] : memref<16x157x128xi32, #tpu.memory_space<hbm>> -> memref<1x157x128xi32, #tpu.memory_space<hbm>>
      %dma_start3A_26 = tpu.memref_squeeze %dma_start3A_25 : memref<1x157x128xi32, #tpu.memory_space<hbm>> -> memref<157x128xi32, #tpu.memory_space<hbm>>
      tpu.enqueue_dma source(%dma_start3A_26 : memref<157x128xi32, #tpu.memory_space<hbm>>) target(%arg4 : memref<157x128xi32, #tpu.memory_space<vmem>>) target_semaphore(%run_scoped3A : memref<!tpu.dma_semaphore, #tpu.memory_space<semaphore_mem>>)
      %dma_wait3A = arith.constant 0 : i32
      %dma_wait3A_27 = arith.constant 0 : i32
      %dma_wait3A_28 = tpu.memref_slice %arg2[%arg1, %dma_wait3A, %dma_wait3A_27] : memref<16x157x128xi32, #tpu.memory_space<hbm>> -> memref<1x157x128xi32, #tpu.memory_space<hbm>>
      %dma_wait3A_29 = tpu.memref_squeeze %dma_wait3A_28 : memref<1x157x128xi32, #tpu.memory_space<hbm>> -> memref<157x128xi32, #tpu.memory_space<hbm>>
      %dma_wait3A_30 = arith.constant 0 : i32
      %dma_wait3A_31 = arith.constant 0 : i32
      %dma_wait3A_32 = tpu.memref_slice %arg2[%arg1, %dma_wait3A_30, %dma_wait3A_31] : memref<16x157x128xi32, #tpu.memory_space<hbm>> -> memref<1x157x128xi32, #tpu.memory_space<hbm>>
      %dma_wait3A_33 = tpu.memref_squeeze %dma_wait3A_32 : memref<1x157x128xi32, #tpu.memory_space<hbm>> -> memref<157x128xi32, #tpu.memory_space<hbm>>
      tpu.wait_dma2 semaphore(%run_scoped3A : memref<!tpu.dma_semaphore, #tpu.memory_space<semaphore_mem>>) src(%dma_wait3A_33 : memref<157x128xi32, #tpu.memory_space<hbm>>) dst(%arg4 : memref<157x128xi32, #tpu.memory_space<vmem>>)
      tpu.yield
    }) : () -> ()
    %scan3A_10 = arith.constant 0 : i32
    %scan3A_11 = arith.constant 157 : i32
    %scan3A_12 = arith.addi %scan3A_10, %scan3A_11 : i32
    %scan3A_13 = arith.constant 1 : i32
    scf.for %scan3A_20 = %scan3A_10 to %scan3A_12 step %scan3A_13  : i32 {
      %mul3A_21 = arith.constant 1 : i32
      %mul3A_22 = arith.muli %scan3A_20, %mul3A_21 : i32
      %add3A = arith.constant 0 : i32
      %add3A_23 = arith.addi %add3A, %mul3A_22 : i32
      %rem3A = arith.constant 2 : i32
      %rem3A_24 = arith.remsi %add3A_23, %rem3A : i32
      %eq3A = arith.cmpi eq, %rem3A_24, %arg0 : i32
      %convert_element_type3A = arith.extui %eq3A : i1 to i32
      %cond3A = arith.constant 0 : i32
      %cond3A_25 = arith.cmpi ne, %convert_element_type3A, %cond3A : i32
      scf.if %cond3A_25 {
        "tpu.region"() ({
          %run_scoped3A = tpu.sem_alloc : memref<!tpu.dma_semaphore, #tpu.memory_space<semaphore_mem>>
          %dma_start3A = arith.constant 0 : i32
          %dma_start3A_26 = tpu.memref_slice %arg4[%add3A_23, %dma_start3A] : memref<157x128xi32, #tpu.memory_space<vmem>> -> memref<1x128xi32, #tpu.memory_space<vmem>>
          %dma_start3A_27 = tpu.memref_squeeze %dma_start3A_26 : memref<1x128xi32, #tpu.memory_space<vmem>> -> memref<128xi32, #tpu.memory_space<vmem>>
          %dma_start3A_28 = arith.constant 0 : i32
          %dma_start3A_29 = tpu.memref_slice %arg7[%dma_start3A_28] : memref<10240xf32, #tpu.memory_space<vmem_shared>> -> memref<10240xf32, #tpu.memory_space<vmem_shared>>
          tpu.enqueue_indirect_dma source(%arg6 : memref<128xf32, #tpu.memory_space<vmem>>) target(%dma_start3A_29 : memref<10240xf32, #tpu.memory_space<vmem_shared>>) offsets(%dma_start3A_27 : memref<128xi32, #tpu.memory_space<vmem>>) semaphore(%run_scoped3A : memref<!tpu.dma_semaphore, #tpu.memory_space<semaphore_mem>>) {add = true}
          %dma_wait3A = arith.constant 0 : i32
          %dma_wait3A_30 = tpu.memref_slice %arg4[%add3A_23, %dma_wait3A] : memref<157x128xi32, #tpu.memory_space<vmem>> -> memref<1x128xi32, #tpu.memory_space<vmem>>
          %dma_wait3A_31 = tpu.memref_squeeze %dma_wait3A_30 : memref<1x128xi32, #tpu.memory_space<vmem>> -> memref<128xi32, #tpu.memory_space<vmem>>
          %dma_wait3A_32 = arith.constant 0 : i32
          %dma_wait3A_33 = tpu.memref_slice %arg7[%dma_wait3A_32] : memref<10240xf32, #tpu.memory_space<vmem_shared>> -> memref<10240xf32, #tpu.memory_space<vmem_shared>>
          tpu.wait_indirect_dma semaphore(%run_scoped3A : memref<!tpu.dma_semaphore, #tpu.memory_space<semaphore_mem>>) src(%arg6 : memref<128xf32, #tpu.memory_space<vmem>>) dst(%dma_wait3A_33 : memref<10240xf32, #tpu.memory_space<vmem_shared>>)
          tpu.yield
        }) : () -> ()
      } else {
      }
    }
    %scan3A_14 = arith.constant 157 : i32
    %barrier3A_15 = arith.constant 0 : index
    tpu.barrier barrier_id(%barrier3A_15)
    %mul3A_16 = arith.constant 640 : i32
    %mul3A_17 = arith.muli %arg1, %mul3A_16 : i32
    %mul3A_18 = arith.constant 640 : i32
    %mul3A_19 = arith.muli %arg1, %mul3A_18 : i32
    "tpu.region"() ({
      %run_scoped3A = tpu.sem_alloc : memref<!tpu.dma_semaphore, #tpu.memory_space<semaphore_mem>>
      %dma_start3A = tpu.memref_slice %arg3[%arg0, %mul3A_19] : memref<2x10240xf32, #tpu.memory_space<hbm>> -> memref<1x640xf32, #tpu.memory_space<hbm>>
      %dma_start3A_20 = tpu.memref_squeeze %dma_start3A : memref<1x640xf32, #tpu.memory_space<hbm>> -> memref<640xf32, #tpu.memory_space<hbm>>
      %dma_start3A_21 = tpu.memref_slice %arg7[%mul3A_17] : memref<10240xf32, #tpu.memory_space<vmem_shared>> -> memref<640xf32, #tpu.memory_space<vmem_shared>>
      tpu.enqueue_dma source(%dma_start3A_21 : memref<640xf32, #tpu.memory_space<vmem_shared>>) target(%dma_start3A_20 : memref<640xf32, #tpu.memory_space<hbm>>) target_semaphore(%run_scoped3A : memref<!tpu.dma_semaphore, #tpu.memory_space<semaphore_mem>>)
      %dma_wait3A = tpu.memref_slice %arg3[%arg0, %mul3A_19] : memref<2x10240xf32, #tpu.memory_space<hbm>> -> memref<1x640xf32, #tpu.memory_space<hbm>>
      %dma_wait3A_22 = tpu.memref_squeeze %dma_wait3A : memref<1x640xf32, #tpu.memory_space<hbm>> -> memref<640xf32, #tpu.memory_space<hbm>>
      %dma_wait3A_23 = tpu.memref_slice %arg7[%mul3A_17] : memref<10240xf32, #tpu.memory_space<vmem_shared>> -> memref<640xf32, #tpu.memory_space<vmem_shared>>
      tpu.wait_dma2 semaphore(%run_scoped3A : memref<!tpu.dma_semaphore, #tpu.memory_space<semaphore_mem>>) src(%dma_wait3A_23 : memref<640xf32, #tpu.memory_space<vmem_shared>>) dst(%dma_wait3A_22 : memref<640xf32, #tpu.memory_space<hbm>>)
      tpu.yield
    }) : () -> ()
    return
  }
}

#map = affine_map<(d0, d1) -> (0, 0)>
#map1 = affine_map<(d0, d1) -> (0, 0, 0, 0)>
#map2 = affine_map<(d0, d1) -> (0, 0, 0)>
module attributes {stable_mosaic.version = 14 : i64} {
  func.func @k(%arg0: i32, %arg1: i32, %arg2: memref<20000x64xf32, #tpu.memory_space<hbm>>, %arg3: memref<2x16x157x128xi32, #tpu.memory_space<hbm>>, %arg4: memref<16x157x128xi32, #tpu.memory_space<hbm>>, %arg5: memref<2x10240x128xf32, #tpu.memory_space<hbm>>, %arg6: memref<157x128xi32, #tpu.memory_space<vmem>>, %arg7: memref<157x128xi32, #tpu.memory_space<vmem>>, %arg8: memref<6x128x64xf32, #tpu.memory_space<vmem>>, %arg9: memref<10240x64xf32, #tpu.memory_space<vmem_shared>>, %arg10: memref<!tpu.dma_semaphore, #tpu.memory_space<semaphore_mem>>, %arg11: memref<!tpu.dma_semaphore, #tpu.memory_space<semaphore_mem>>, %arg12: memref<!tpu.dma_semaphore, #tpu.memory_space<semaphore_mem>>) attributes {dimension_semantics = [#tpu.dimension_semantics<core_parallel>, #tpu.dimension_semantics<subcore_parallel>], iteration_bounds = array<i64: 2, 16>, scalar_prefetch = 0 : i64, scratch_operands = 7 : i64, tpu.core_type = #tpu.core_type<sc_vector_subcore>, window_params = [{transform_indices = #map}, {transform_indices = #map1}, {transform_indices = #map2}, {transform_indices = #map2}]} {
    %dma_start3A = arith.constant 0 : i32
    %dma_start3A_0 = arith.constant 0 : i32
    %dma_start3A_1 = tpu.memref_slice %arg3[%arg0, %arg1, %dma_start3A, %dma_start3A_0] : memref<2x16x157x128xi32, #tpu.memory_space<hbm>> -> memref<1x1x157x128xi32, #tpu.memory_space<hbm>>
    %dma_start3A_2 = tpu.memref_squeeze %dma_start3A_1 : memref<1x1x157x128xi32, #tpu.memory_space<hbm>> -> memref<157x128xi32, #tpu.memory_space<hbm>>
    %dma_start3A_3 = arith.constant 0 : i32
    %dma_start3A_4 = arith.constant 0 : i32
    %dma_start3A_5 = tpu.memref_slice %arg3[%arg0, %arg1, %dma_start3A_3, %dma_start3A_4] : memref<2x16x157x128xi32, #tpu.memory_space<hbm>> -> memref<1x1x157x128xi32, #tpu.memory_space<hbm>>
    %dma_start3A_6 = tpu.memref_squeeze %dma_start3A_5 : memref<1x1x157x128xi32, #tpu.memory_space<hbm>> -> memref<157x128xi32, #tpu.memory_space<hbm>>
    tpu.enqueue_dma source(%dma_start3A_6 : memref<157x128xi32, #tpu.memory_space<hbm>>) target(%arg6 : memref<157x128xi32, #tpu.memory_space<vmem>>) target_semaphore(%arg12 : memref<!tpu.dma_semaphore, #tpu.memory_space<semaphore_mem>>)
    %dma_start3A_7 = arith.constant 0 : i32
    %dma_start3A_8 = arith.constant 0 : i32
    %dma_start3A_9 = tpu.memref_slice %arg4[%arg1, %dma_start3A_7, %dma_start3A_8] : memref<16x157x128xi32, #tpu.memory_space<hbm>> -> memref<1x157x128xi32, #tpu.memory_space<hbm>>
    %dma_start3A_10 = tpu.memref_squeeze %dma_start3A_9 : memref<1x157x128xi32, #tpu.memory_space<hbm>> -> memref<157x128xi32, #tpu.memory_space<hbm>>
    %dma_start3A_11 = arith.constant 0 : i32
    %dma_start3A_12 = arith.constant 0 : i32
    %dma_start3A_13 = tpu.memref_slice %arg4[%arg1, %dma_start3A_11, %dma_start3A_12] : memref<16x157x128xi32, #tpu.memory_space<hbm>> -> memref<1x157x128xi32, #tpu.memory_space<hbm>>
    %dma_start3A_14 = tpu.memref_squeeze %dma_start3A_13 : memref<1x157x128xi32, #tpu.memory_space<hbm>> -> memref<157x128xi32, #tpu.memory_space<hbm>>
    tpu.enqueue_dma source(%dma_start3A_14 : memref<157x128xi32, #tpu.memory_space<hbm>>) target(%arg7 : memref<157x128xi32, #tpu.memory_space<vmem>>) target_semaphore(%arg12 : memref<!tpu.dma_semaphore, #tpu.memory_space<semaphore_mem>>)
    %scan3A = arith.constant 0 : i32
    %scan3A_15 = arith.constant 0 : i32
    %scan3A_16 = arith.constant 128 : i32
    %scan3A_17 = arith.addi %scan3A_15, %scan3A_16 : i32
    %scan3A_18 = arith.constant 1 : i32
    scf.for %scan3A_73 = %scan3A_15 to %scan3A_17 step %scan3A_18  : i32 {
      %mul3A = arith.constant 1 : i32
      %mul3A_74 = arith.muli %scan3A_73, %mul3A : i32
      %add3A = arith.constant 0 : i32
      %add3A_75 = arith.addi %add3A, %mul3A_74 : i32
      %scan3A_76 = arith.constant 0 : i32
      %scan3A_77 = arith.constant 4 : i32
      %scan3A_78 = arith.addi %scan3A_76, %scan3A_77 : i32
      %scan3A_79 = arith.constant 1 : i32
      scf.for %scan3A_81 = %scan3A_76 to %scan3A_78 step %scan3A_79  : i32 {
        %mul3A_82 = arith.constant 16 : i32
        %mul3A_83 = arith.muli %scan3A_81, %mul3A_82 : i32
        %add3A_84 = arith.constant 0 : i32
        %add3A_85 = arith.addi %add3A_84, %mul3A_83 : i32
        %broadcast_in_dim3A = arith.constant 0.000000e+00 : f32
        %broadcast_in_dim3A_86 = vector.broadcast %broadcast_in_dim3A : f32 to vector<16xf32>
        %swap3A = arith.constant 0 : i32
        %swap3A_87 = arith.constant 0 : i32
        %swap3A_88 = tpu.memref_slice %arg8[%scan3A, %swap3A, %swap3A_87] : memref<6x128x64xf32, #tpu.memory_space<vmem>> -> memref<1x128x64xf32, #tpu.memory_space<vmem>>
        %swap3A_89 = tpu.memref_squeeze %swap3A_88 : memref<1x128x64xf32, #tpu.memory_space<vmem>> -> memref<128x64xf32, #tpu.memory_space<vmem>>
        %swap3A_90 = arith.index_cast %add3A_75 : i32 to index
        %swap3A_91 = arith.index_cast %add3A_85 : i32 to index
        %swap3A_92 = tpu.vector_load %swap3A_89[%swap3A_90, %swap3A_91] {strides = array<i32>} : memref<128x64xf32, #tpu.memory_space<vmem>>, vector<1x16xf32>,
        %swap3A_93 = vector.shape_cast %swap3A_92 : vector<1x16xf32> to vector<16xf32>
        %swap3A_94 = vector.shape_cast %broadcast_in_dim3A_86 : vector<16xf32> to vector<1x16xf32>
        tpu.vector_store %swap3A_89[%swap3A_90, %swap3A_91], %swap3A_94 {strides = array<i32>} : memref<128x64xf32, #tpu.memory_space<vmem>>, vector<1x16xf32>,
      }
      %scan3A_80 = arith.constant 4 : i32
    }
    %scan3A_19 = arith.constant 128 : i32
    %scan3A_20 = arith.constant 0 : i32
    %scan3A_21 = arith.constant 0 : i32
    %scan3A_22 = arith.constant 5 : i32
    %scan3A_23 = arith.addi %scan3A_21, %scan3A_22 : i32
    %scan3A_24 = arith.constant 1 : i32
    scf.for %scan3A_73 = %scan3A_21 to %scan3A_23 step %scan3A_24  : i32 {
      %mul3A = arith.constant 1 : i32
      %mul3A_74 = arith.muli %scan3A_73, %mul3A : i32
      %add3A = arith.constant 0 : i32
      %add3A_75 = arith.addi %add3A, %mul3A_74 : i32
      %mul3A_76 = arith.constant 640 : i32
      %mul3A_77 = arith.muli %arg1, %mul3A_76 : i32
      %mul3A_78 = arith.constant 128 : i32
      %mul3A_79 = arith.muli %add3A_75, %mul3A_78 : i32
      %add3A_80 = arith.addi %mul3A_77, %mul3A_79 : i32
      %dma_start3A_81 = arith.constant 0 : i32
      %dma_start3A_82 = arith.constant 0 : i32
      %dma_start3A_83 = tpu.memref_slice %arg8[%scan3A_20, %dma_start3A_81, %dma_start3A_82] : memref<6x128x64xf32, #tpu.memory_space<vmem>> -> memref<1x128x64xf32, #tpu.memory_space<vmem>>
      %dma_start3A_84 = tpu.memref_squeeze %dma_start3A_83 : memref<1x128x64xf32, #tpu.memory_space<vmem>> -> memref<128x64xf32, #tpu.memory_space<vmem>>
      %dma_start3A_85 = arith.constant 0 : i32
      %dma_start3A_86 = tpu.memref_slice %arg9[%add3A_80, %dma_start3A_85] : memref<10240x64xf32, #tpu.memory_space<vmem_shared>> -> memref<128x64xf32, #tpu.memory_space<vmem_shared>>
      %dma_start3A_87 = arith.constant 0 : i32
      %dma_start3A_88 = tpu.memref_slice %arg9[%add3A_80, %dma_start3A_87] : memref<10240x64xf32, #tpu.memory_space<vmem_shared>> -> memref<128x64xf32, #tpu.memory_space<vmem_shared>>
      %dma_start3A_89 = arith.constant 0 : i32
      %dma_start3A_90 = arith.constant 0 : i32
      %dma_start3A_91 = tpu.memref_slice %arg8[%scan3A_20, %dma_start3A_89, %dma_start3A_90] : memref<6x128x64xf32, #tpu.memory_space<vmem>> -> memref<1x128x64xf32, #tpu.memory_space<vmem>>
      %dma_start3A_92 = tpu.memref_squeeze %dma_start3A_91 : memref<1x128x64xf32, #tpu.memory_space<vmem>> -> memref<128x64xf32, #tpu.memory_space<vmem>>
      tpu.enqueue_dma source(%dma_start3A_92 : memref<128x64xf32, #tpu.memory_space<vmem>>) target(%dma_start3A_88 : memref<128x64xf32, #tpu.memory_space<vmem_shared>>) target_semaphore(%arg11 : memref<!tpu.dma_semaphore, #tpu.memory_space<semaphore_mem>>)
    }
    %scan3A_25 = arith.constant 5 : i32
    %scan3A_26 = arith.constant 0 : i32
    %scan3A_27 = arith.constant 0 : i32
    %scan3A_28 = arith.constant 5 : i32
    %scan3A_29 = arith.addi %scan3A_27, %scan3A_28 : i32
    %scan3A_30 = arith.constant 1 : i32
    scf.for %scan3A_73 = %scan3A_27 to %scan3A_29 step %scan3A_30  : i32 {
      %mul3A = arith.constant 1 : i32
      %mul3A_74 = arith.muli %scan3A_73, %mul3A : i32
      %add3A = arith.constant 0 : i32
      %add3A_75 = arith.addi %add3A, %mul3A_74 : i32
      %mul3A_76 = arith.constant 640 : i32
      %mul3A_77 = arith.muli %arg1, %mul3A_76 : i32
      %mul3A_78 = arith.constant 128 : i32
      %mul3A_79 = arith.muli %add3A_75, %mul3A_78 : i32
      %add3A_80 = arith.addi %mul3A_77, %mul3A_79 : i32
      %dma_wait3A_81 = arith.constant 0 : i32
      %dma_wait3A_82 = arith.constant 0 : i32
      %dma_wait3A_83 = tpu.memref_slice %arg8[%scan3A_26, %dma_wait3A_81, %dma_wait3A_82] : memref<6x128x64xf32, #tpu.memory_space<vmem>> -> memref<1x128x64xf32, #tpu.memory_space<vmem>>
      %dma_wait3A_84 = tpu.memref_squeeze %dma_wait3A_83 : memref<1x128x64xf32, #tpu.memory_space<vmem>> -> memref<128x64xf32, #tpu.memory_space<vmem>>
      %dma_wait3A_85 = arith.constant 0 : i32
      %dma_wait3A_86 = tpu.memref_slice %arg9[%add3A_80, %dma_wait3A_85] : memref<10240x64xf32, #tpu.memory_space<vmem_shared>> -> memref<128x64xf32, #tpu.memory_space<vmem_shared>>
      %dma_wait3A_87 = arith.constant 0 : i32
      %dma_wait3A_88 = tpu.memref_slice %arg9[%add3A_80, %dma_wait3A_87] : memref<10240x64xf32, #tpu.memory_space<vmem_shared>> -> memref<128x64xf32, #tpu.memory_space<vmem_shared>>
      %dma_wait3A_89 = arith.constant 0 : i32
      %dma_wait3A_90 = arith.constant 0 : i32
      %dma_wait3A_91 = tpu.memref_slice %arg8[%scan3A_26, %dma_wait3A_89, %dma_wait3A_90] : memref<6x128x64xf32, #tpu.memory_space<vmem>> -> memref<1x128x64xf32, #tpu.memory_space<vmem>>
      %dma_wait3A_92 = tpu.memref_squeeze %dma_wait3A_91 : memref<1x128x64xf32, #tpu.memory_space<vmem>> -> memref<128x64xf32, #tpu.memory_space<vmem>>
      tpu.wait_dma2 semaphore(%arg11 : memref<!tpu.dma_semaphore, #tpu.memory_space<semaphore_mem>>) src(%dma_wait3A_92 : memref<128x64xf32, #tpu.memory_space<vmem>>) dst(%dma_wait3A_88 : memref<128x64xf32, #tpu.memory_space<vmem_shared>>)
    }
    %scan3A_31 = arith.constant 5 : i32
    %dma_wait3A = arith.constant 0 : i32
    %dma_wait3A_32 = arith.constant 0 : i32
    %dma_wait3A_33 = tpu.memref_slice %arg3[%arg0, %arg1, %dma_wait3A, %dma_wait3A_32] : memref<2x16x157x128xi32, #tpu.memory_space<hbm>> -> memref<1x1x157x128xi32, #tpu.memory_space<hbm>>
    %dma_wait3A_34 = tpu.memref_squeeze %dma_wait3A_33 : memref<1x1x157x128xi32, #tpu.memory_space<hbm>> -> memref<157x128xi32, #tpu.memory_space<hbm>>
    %dma_wait3A_35 = arith.constant 0 : i32
    %dma_wait3A_36 = arith.constant 0 : i32
    %dma_wait3A_37 = tpu.memref_slice %arg3[%arg0, %arg1, %dma_wait3A_35, %dma_wait3A_36] : memref<2x16x157x128xi32, #tpu.memory_space<hbm>> -> memref<1x1x157x128xi32, #tpu.memory_space<hbm>>
    %dma_wait3A_38 = tpu.memref_squeeze %dma_wait3A_37 : memref<1x1x157x128xi32, #tpu.memory_space<hbm>> -> memref<157x128xi32, #tpu.memory_space<hbm>>
    tpu.wait_dma2 semaphore(%arg12 : memref<!tpu.dma_semaphore, #tpu.memory_space<semaphore_mem>>) src(%dma_wait3A_38 : memref<157x128xi32, #tpu.memory_space<hbm>>) dst(%arg6 : memref<157x128xi32, #tpu.memory_space<vmem>>)
    %dma_wait3A_39 = arith.constant 0 : i32
    %dma_wait3A_40 = arith.constant 0 : i32
    %dma_wait3A_41 = tpu.memref_slice %arg4[%arg1, %dma_wait3A_39, %dma_wait3A_40] : memref<16x157x128xi32, #tpu.memory_space<hbm>> -> memref<1x157x128xi32, #tpu.memory_space<hbm>>
    %dma_wait3A_42 = tpu.memref_squeeze %dma_wait3A_41 : memref<1x157x128xi32, #tpu.memory_space<hbm>> -> memref<157x128xi32, #tpu.memory_space<hbm>>
    %dma_wait3A_43 = arith.constant 0 : i32
    %dma_wait3A_44 = arith.constant 0 : i32
    %dma_wait3A_45 = tpu.memref_slice %arg4[%arg1, %dma_wait3A_43, %dma_wait3A_44] : memref<16x157x128xi32, #tpu.memory_space<hbm>> -> memref<1x157x128xi32, #tpu.memory_space<hbm>>
    %dma_wait3A_46 = tpu.memref_squeeze %dma_wait3A_45 : memref<1x157x128xi32, #tpu.memory_space<hbm>> -> memref<157x128xi32, #tpu.memory_space<hbm>>
    tpu.wait_dma2 semaphore(%arg12 : memref<!tpu.dma_semaphore, #tpu.memory_space<semaphore_mem>>) src(%dma_wait3A_46 : memref<157x128xi32, #tpu.memory_space<hbm>>) dst(%arg7 : memref<157x128xi32, #tpu.memory_space<vmem>>)
    %barrier3A = arith.constant 0 : index
    tpu.barrier barrier_id(%barrier3A)
    %scan3A_47 = arith.constant 0 : i32
    %scan3A_48 = arith.constant 6 : i32
    %scan3A_49 = arith.addi %scan3A_47, %scan3A_48 : i32
    %scan3A_50 = arith.constant 1 : i32
    scf.for %scan3A_73 = %scan3A_47 to %scan3A_49 step %scan3A_50  : i32 {
      %mul3A = arith.constant 1 : i32
      %mul3A_74 = arith.muli %scan3A_73, %mul3A : i32
      %add3A = arith.constant 0 : i32
      %add3A_75 = arith.addi %add3A, %mul3A_74 : i32
      %rem3A = arith.constant 6 : i32
      %rem3A_76 = arith.remsi %add3A_75, %rem3A : i32
      %dma_start3A_77 = arith.constant 0 : i32
      %dma_start3A_78 = arith.constant 0 : i32
      %dma_start3A_79 = tpu.memref_slice %arg8[%rem3A_76, %dma_start3A_77, %dma_start3A_78] : memref<6x128x64xf32, #tpu.memory_space<vmem>> -> memref<1x128x64xf32, #tpu.memory_space<vmem>>
      %dma_start3A_80 = tpu.memref_squeeze %dma_start3A_79 : memref<1x128x64xf32, #tpu.memory_space<vmem>> -> memref<128x64xf32, #tpu.memory_space<vmem>>
      %dma_start3A_81 = arith.constant 0 : i32
      %dma_start3A_82 = tpu.memref_slice %arg6[%add3A_75, %dma_start3A_81] : memref<157x128xi32, #tpu.memory_space<vmem>> -> memref<1x128xi32, #tpu.memory_space<vmem>>
      %dma_start3A_83 = tpu.memref_squeeze %dma_start3A_82 : memref<1x128xi32, #tpu.memory_space<vmem>> -> memref<128xi32, #tpu.memory_space<vmem>>
      %dma_start3A_84 = arith.constant 0 : i32
      %dma_start3A_85 = arith.constant 0 : i32
      %dma_start3A_86 = tpu.memref_slice %arg2[%dma_start3A_84, %dma_start3A_85] : memref<20000x64xf32, #tpu.memory_space<hbm>> -> memref<20000x64xf32, #tpu.memory_space<hbm>>
      tpu.enqueue_indirect_dma source(%dma_start3A_86 : memref<20000x64xf32, #tpu.memory_space<hbm>>) target(%dma_start3A_80 : memref<128x64xf32, #tpu.memory_space<vmem>>) offsets(%dma_start3A_83 : memref<128xi32, #tpu.memory_space<vmem>>) semaphore(%arg10 : memref<!tpu.dma_semaphore, #tpu.memory_space<semaphore_mem>>)
    }
    %scan3A_51 = arith.constant 6 : i32
    %scan3A_52 = arith.constant 0 : i32
    %scan3A_53 = arith.constant 157 : i32
    %scan3A_54 = arith.addi %scan3A_52, %scan3A_53 : i32
    %scan3A_55 = arith.constant 1 : i32
    scf.for %scan3A_73 = %scan3A_52 to %scan3A_54 step %scan3A_55  : i32 {
      %mul3A = arith.constant 1 : i32
      %mul3A_74 = arith.muli %scan3A_73, %mul3A : i32
      %add3A = arith.constant 0 : i32
      %add3A_75 = arith.addi %add3A, %mul3A_74 : i32
      %rem3A = arith.constant 6 : i32
      %rem3A_76 = arith.remsi %add3A_75, %rem3A : i32
      %dma_wait3A_77 = arith.constant 0 : i32
      %dma_wait3A_78 = arith.constant 0 : i32
      %dma_wait3A_79 = tpu.memref_slice %arg8[%rem3A_76, %dma_wait3A_77, %dma_wait3A_78] : memref<6x128x64xf32, #tpu.memory_space<vmem>> -> memref<1x128x64xf32, #tpu.memory_space<vmem>>
      %dma_wait3A_80 = tpu.memref_squeeze %dma_wait3A_79 : memref<1x128x64xf32, #tpu.memory_space<vmem>> -> memref<128x64xf32, #tpu.memory_space<vmem>>
      %dma_wait3A_81 = arith.constant 0 : i32
      %dma_wait3A_82 = tpu.memref_slice %arg6[%add3A_75, %dma_wait3A_81] : memref<157x128xi32, #tpu.memory_space<vmem>> -> memref<1x128xi32, #tpu.memory_space<vmem>>
      %dma_wait3A_83 = tpu.memref_squeeze %dma_wait3A_82 : memref<1x128xi32, #tpu.memory_space<vmem>> -> memref<128xi32, #tpu.memory_space<vmem>>
      %dma_wait3A_84 = arith.constant 0 : i32
      %dma_wait3A_85 = arith.constant 0 : i32
      %dma_wait3A_86 = tpu.memref_slice %arg2[%dma_wait3A_84, %dma_wait3A_85] : memref<20000x64xf32, #tpu.memory_space<hbm>> -> memref<20000x64xf32, #tpu.memory_space<hbm>>
      tpu.wait_indirect_dma semaphore(%arg10 : memref<!tpu.dma_semaphore, #tpu.memory_space<semaphore_mem>>) src(%dma_wait3A_86 : memref<20000x64xf32, #tpu.memory_space<hbm>>) dst(%dma_wait3A_80 : memref<128x64xf32, #tpu.memory_space<vmem>>)
      %rem3A_87 = arith.constant 6 : i32
      %rem3A_88 = arith.remsi %add3A_75, %rem3A_87 : i32
      %dma_start3A_89 = arith.constant 0 : i32
      %dma_start3A_90 = arith.constant 0 : i32
      %dma_start3A_91 = tpu.memref_slice %arg8[%rem3A_88, %dma_start3A_89, %dma_start3A_90] : memref<6x128x64xf32, #tpu.memory_space<vmem>> -> memref<1x128x64xf32, #tpu.memory_space<vmem>>
      %dma_start3A_92 = tpu.memref_squeeze %dma_start3A_91 : memref<1x128x64xf32, #tpu.memory_space<vmem>> -> memref<128x64xf32, #tpu.memory_space<vmem>>
      %dma_start3A_93 = arith.constant 0 : i32
      %dma_start3A_94 = tpu.memref_slice %arg7[%add3A_75, %dma_start3A_93] : memref<157x128xi32, #tpu.memory_space<vmem>> -> memref<1x128xi32, #tpu.memory_space<vmem>>
      %dma_start3A_95 = tpu.memref_squeeze %dma_start3A_94 : memref<1x128xi32, #tpu.memory_space<vmem>> -> memref<128xi32, #tpu.memory_space<vmem>>
      %dma_start3A_96 = arith.constant 0 : i32
      %dma_start3A_97 = arith.constant 0 : i32
      %dma_start3A_98 = tpu.memref_slice %arg9[%dma_start3A_96, %dma_start3A_97] : memref<10240x64xf32, #tpu.memory_space<vmem_shared>> -> memref<10240x64xf32, #tpu.memory_space<vmem_shared>>
      tpu.enqueue_indirect_dma source(%dma_start3A_92 : memref<128x64xf32, #tpu.memory_space<vmem>>) target(%dma_start3A_98 : memref<10240x64xf32, #tpu.memory_space<vmem_shared>>) offsets(%dma_start3A_95 : memref<128xi32, #tpu.memory_space<vmem>>) semaphore(%arg11 : memref<!tpu.dma_semaphore, #tpu.memory_space<semaphore_mem>>) {add = true}
      %ge3A = arith.constant 3 : i32
      %ge3A_99 = arith.cmpi sge, %add3A_75, %ge3A : i32
      %convert_element_type3A = arith.extui %ge3A_99 : i1 to i32
      %cond3A = arith.constant 0 : i32
      %cond3A_100 = arith.cmpi ne, %convert_element_type3A, %cond3A : i32
      scf.if %cond3A_100 {
        %sub3A = arith.constant 3 : i32
        %sub3A_101 = arith.subi %add3A_75, %sub3A : i32
        %rem3A_102 = arith.constant 6 : i32
        %rem3A_103 = arith.remsi %sub3A_101, %rem3A_102 : i32
        %dma_wait3A_104 = arith.constant 0 : i32
        %dma_wait3A_105 = arith.constant 0 : i32
        %dma_wait3A_106 = tpu.memref_slice %arg8[%rem3A_103, %dma_wait3A_104, %dma_wait3A_105] : memref<6x128x64xf32, #tpu.memory_space<vmem>> -> memref<1x128x64xf32, #tpu.memory_space<vmem>>
        %dma_wait3A_107 = tpu.memref_squeeze %dma_wait3A_106 : memref<1x128x64xf32, #tpu.memory_space<vmem>> -> memref<128x64xf32, #tpu.memory_space<vmem>>
        %dma_wait3A_108 = arith.constant 0 : i32
        %dma_wait3A_109 = tpu.memref_slice %arg7[%sub3A_101, %dma_wait3A_108] : memref<157x128xi32, #tpu.memory_space<vmem>> -> memref<1x128xi32, #tpu.memory_space<vmem>>
        %dma_wait3A_110 = tpu.memref_squeeze %dma_wait3A_109 : memref<1x128xi32, #tpu.memory_space<vmem>> -> memref<128xi32, #tpu.memory_space<vmem>>
        %dma_wait3A_111 = arith.constant 0 : i32
        %dma_wait3A_112 = arith.constant 0 : i32
        %dma_wait3A_113 = tpu.memref_slice %arg9[%dma_wait3A_111, %dma_wait3A_112] : memref<10240x64xf32, #tpu.memory_space<vmem_shared>> -> memref<10240x64xf32, #tpu.memory_space<vmem_shared>>
        tpu.wait_indirect_dma semaphore(%arg11 : memref<!tpu.dma_semaphore, #tpu.memory_space<semaphore_mem>>) src(%dma_wait3A_107 : memref<128x64xf32, #tpu.memory_space<vmem>>) dst(%dma_wait3A_113 : memref<10240x64xf32, #tpu.memory_space<vmem_shared>>)
        %add3A_114 = arith.constant 6 : i32
        %add3A_115 = arith.addi %add3A_75, %add3A_114 : i32
        %sub3A_116 = arith.constant 3 : i32
        %sub3A_117 = arith.subi %add3A_115, %sub3A_116 : i32
        %lt3A = arith.constant 157 : i32
        %lt3A_118 = arith.cmpi slt, %sub3A_117, %lt3A : i32
        %convert_element_type3A_119 = arith.extui %lt3A_118 : i1 to i32
        %cond3A_120 = arith.constant 0 : i32
        %cond3A_121 = arith.cmpi ne, %convert_element_type3A_119, %cond3A_120 : i32
        scf.if %cond3A_121 {
          %add3A_122 = arith.constant 6 : i32
          %add3A_123 = arith.addi %add3A_75, %add3A_122 : i32
          %sub3A_124 = arith.constant 3 : i32
          %sub3A_125 = arith.subi %add3A_123, %sub3A_124 : i32
          %rem3A_126 = arith.constant 6 : i32
          %rem3A_127 = arith.remsi %sub3A_125, %rem3A_126 : i32
          %dma_start3A_128 = arith.constant 0 : i32
          %dma_start3A_129 = arith.constant 0 : i32
          %dma_start3A_130 = tpu.memref_slice %arg8[%rem3A_127, %dma_start3A_128, %dma_start3A_129] : memref<6x128x64xf32, #tpu.memory_space<vmem>> -> memref<1x128x64xf32, #tpu.memory_space<vmem>>
          %dma_start3A_131 = tpu.memref_squeeze %dma_start3A_130 : memref<1x128x64xf32, #tpu.memory_space<vmem>> -> memref<128x64xf32, #tpu.memory_space<vmem>>
          %dma_start3A_132 = arith.constant 0 : i32
          %dma_start3A_133 = tpu.memref_slice %arg6[%sub3A_125, %dma_start3A_132] : memref<157x128xi32, #tpu.memory_space<vmem>> -> memref<1x128xi32, #tpu.memory_space<vmem>>
          %dma_start3A_134 = tpu.memref_squeeze %dma_start3A_133 : memref<1x128xi32, #tpu.memory_space<vmem>> -> memref<128xi32, #tpu.memory_space<vmem>>
          %dma_start3A_135 = arith.constant 0 : i32
          %dma_start3A_136 = arith.constant 0 : i32
          %dma_start3A_137 = tpu.memref_slice %arg2[%dma_start3A_135, %dma_start3A_136] : memref<20000x64xf32, #tpu.memory_space<hbm>> -> memref<20000x64xf32, #tpu.memory_space<hbm>>
          tpu.enqueue_indirect_dma source(%dma_start3A_137 : memref<20000x64xf32, #tpu.memory_space<hbm>>) target(%dma_start3A_131 : memref<128x64xf32, #tpu.memory_space<vmem>>) offsets(%dma_start3A_134 : memref<128xi32, #tpu.memory_space<vmem>>) semaphore(%arg10 : memref<!tpu.dma_semaphore, #tpu.memory_space<semaphore_mem>>)
        } else {
        }
      } else {
      }
    }
    %scan3A_56 = arith.constant 157 : i32
    %scan3A_57 = arith.constant 0 : i32
    %scan3A_58 = arith.constant 3 : i32
    %scan3A_59 = arith.addi %scan3A_57, %scan3A_58 : i32
    %scan3A_60 = arith.constant 1 : i32
    scf.for %scan3A_73 = %scan3A_57 to %scan3A_59 step %scan3A_60  : i32 {
      %mul3A = arith.constant 1 : i32
      %mul3A_74 = arith.muli %scan3A_73, %mul3A : i32
      %add3A = arith.constant 154 : i32
      %add3A_75 = arith.addi %add3A, %mul3A_74 : i32
      %rem3A = arith.constant 6 : i32
      %rem3A_76 = arith.remsi %add3A_75, %rem3A : i32
      %dma_wait3A_77 = arith.constant 0 : i32
      %dma_wait3A_78 = arith.constant 0 : i32
      %dma_wait3A_79 = tpu.memref_slice %arg8[%rem3A_76, %dma_wait3A_77, %dma_wait3A_78] : memref<6x128x64xf32, #tpu.memory_space<vmem>> -> memref<1x128x64xf32, #tpu.memory_space<vmem>>
      %dma_wait3A_80 = tpu.memref_squeeze %dma_wait3A_79 : memref<1x128x64xf32, #tpu.memory_space<vmem>> -> memref<128x64xf32, #tpu.memory_space<vmem>>
      %dma_wait3A_81 = arith.constant 0 : i32
      %dma_wait3A_82 = tpu.memref_slice %arg7[%add3A_75, %dma_wait3A_81] : memref<157x128xi32, #tpu.memory_space<vmem>> -> memref<1x128xi32, #tpu.memory_space<vmem>>
      %dma_wait3A_83 = tpu.memref_squeeze %dma_wait3A_82 : memref<1x128xi32, #tpu.memory_space<vmem>> -> memref<128xi32, #tpu.memory_space<vmem>>
      %dma_wait3A_84 = arith.constant 0 : i32
      %dma_wait3A_85 = arith.constant 0 : i32
      %dma_wait3A_86 = tpu.memref_slice %arg9[%dma_wait3A_84, %dma_wait3A_85] : memref<10240x64xf32, #tpu.memory_space<vmem_shared>> -> memref<10240x64xf32, #tpu.memory_space<vmem_shared>>
      tpu.wait_indirect_dma semaphore(%arg11 : memref<!tpu.dma_semaphore, #tpu.memory_space<semaphore_mem>>) src(%dma_wait3A_80 : memref<128x64xf32, #tpu.memory_space<vmem>>) dst(%dma_wait3A_86 : memref<10240x64xf32, #tpu.memory_space<vmem_shared>>)
    }
    %scan3A_61 = arith.constant 3 : i32
    %barrier3A_62 = arith.constant 0 : index
    tpu.barrier barrier_id(%barrier3A_62)
    %scan3A_63 = arith.constant 0 : i32
    %scan3A_64 = arith.constant 5 : i32
    %scan3A_65 = arith.addi %scan3A_63, %scan3A_64 : i32
    %scan3A_66 = arith.constant 1 : i32
    scf.for %scan3A_73 = %scan3A_63 to %scan3A_65 step %scan3A_66  : i32 {
      %mul3A = arith.constant 1 : i32
      %mul3A_74 = arith.muli %scan3A_73, %mul3A : i32
      %add3A = arith.constant 0 : i32
      %add3A_75 = arith.addi %add3A, %mul3A_74 : i32
      %mul3A_76 = arith.constant 640 : i32
      %mul3A_77 = arith.muli %arg1, %mul3A_76 : i32
      %mul3A_78 = arith.constant 128 : i32
      %mul3A_79 = arith.muli %add3A_75, %mul3A_78 : i32
      %add3A_80 = arith.addi %mul3A_77, %mul3A_79 : i32
      %dma_start3A_81 = arith.constant 0 : i32
      %dma_start3A_82 = tpu.memref_slice %arg5[%arg0, %add3A_80, %dma_start3A_81] : memref<2x10240x128xf32, #tpu.memory_space<hbm>> -> memref<1x128x64xf32, #tpu.memory_space<hbm>>
      %dma_start3A_83 = tpu.memref_squeeze %dma_start3A_82 : memref<1x128x64xf32, #tpu.memory_space<hbm>> -> memref<128x64xf32, #tpu.memory_space<hbm>>
      %dma_start3A_84 = arith.constant 0 : i32
      %dma_start3A_85 = tpu.memref_slice %arg9[%add3A_80, %dma_start3A_84] : memref<10240x64xf32, #tpu.memory_space<vmem_shared>> -> memref<128x64xf32, #tpu.memory_space<vmem_shared>>
      tpu.enqueue_dma source(%dma_start3A_85 : memref<128x64xf32, #tpu.memory_space<vmem_shared>>) target(%dma_start3A_83 : memref<128x64xf32, #tpu.memory_space<hbm>>) target_semaphore(%arg12 : memref<!tpu.dma_semaphore, #tpu.memory_space<semaphore_mem>>)
    }
    %scan3A_67 = arith.constant 5 : i32
    %scan3A_68 = arith.constant 0 : i32
    %scan3A_69 = arith.constant 5 : i32
    %scan3A_70 = arith.addi %scan3A_68, %scan3A_69 : i32
    %scan3A_71 = arith.constant 1 : i32
    scf.for %scan3A_73 = %scan3A_68 to %scan3A_70 step %scan3A_71  : i32 {
      %mul3A = arith.constant 1 : i32
      %mul3A_74 = arith.muli %scan3A_73, %mul3A : i32
      %add3A = arith.constant 0 : i32
      %add3A_75 = arith.addi %add3A, %mul3A_74 : i32
      %mul3A_76 = arith.constant 640 : i32
      %mul3A_77 = arith.muli %arg1, %mul3A_76 : i32
      %mul3A_78 = arith.constant 128 : i32
      %mul3A_79 = arith.muli %add3A_75, %mul3A_78 : i32
      %add3A_80 = arith.addi %mul3A_77, %mul3A_79 : i32
      %dma_wait3A_81 = arith.constant 0 : i32
      %dma_wait3A_82 = tpu.memref_slice %arg5[%arg0, %add3A_80, %dma_wait3A_81] : memref<2x10240x128xf32, #tpu.memory_space<hbm>> -> memref<1x128x64xf32, #tpu.memory_space<hbm>>
      %dma_wait3A_83 = tpu.memref_squeeze %dma_wait3A_82 : memref<1x128x64xf32, #tpu.memory_space<hbm>> -> memref<128x64xf32, #tpu.memory_space<hbm>>
      %dma_wait3A_84 = arith.constant 0 : i32
      %dma_wait3A_85 = tpu.memref_slice %arg9[%add3A_80, %dma_wait3A_84] : memref<10240x64xf32, #tpu.memory_space<vmem_shared>> -> memref<128x64xf32, #tpu.memory_space<vmem_shared>>
      tpu.wait_dma2 semaphore(%arg12 : memref<!tpu.dma_semaphore, #tpu.memory_space<semaphore_mem>>) src(%dma_wait3A_85 : memref<128x64xf32, #tpu.memory_space<vmem_shared>>) dst(%dma_wait3A_83 : memref<128x64xf32, #tpu.memory_space<hbm>>)
    }
    %scan3A_72 = arith.constant 5 : i32
    return
  }
}

#map = affine_map<(d0, d1) -> (0, 0)>
#map1 = affine_map<(d0, d1) -> (0, 0, 0, 0)>
#map2 = affine_map<(d0, d1) -> (0, 0, 0)>
module attributes {stable_mosaic.version = 14 : i64} {
  func.func @k(%arg0: i32, %arg1: i32, %arg2: memref<20000x64xf32, #tpu.memory_space<hbm>>, %arg3: memref<2x16x157x128xi32, #tpu.memory_space<hbm>>, %arg4: memref<16x157x128xi32, #tpu.memory_space<hbm>>, %arg5: memref<2x10240x128xf32, #tpu.memory_space<hbm>>, %arg6: memref<157x128xi32, #tpu.memory_space<vmem>>, %arg7: memref<157x128xi32, #tpu.memory_space<vmem>>, %arg8: memref<6x128x64xf32, #tpu.memory_space<vmem>>, %arg9: memref<10240x64xf32, #tpu.memory_space<vmem_shared>>, %arg10: memref<!tpu.dma_semaphore, #tpu.memory_space<semaphore_mem>>, %arg11: memref<!tpu.dma_semaphore, #tpu.memory_space<semaphore_mem>>, %arg12: memref<!tpu.dma_semaphore, #tpu.memory_space<semaphore_mem>>) attributes {dimension_semantics = [#tpu.dimension_semantics<core_parallel>, #tpu.dimension_semantics<subcore_parallel>], iteration_bounds = array<i64: 2, 16>, scalar_prefetch = 0 : i64, scratch_operands = 7 : i64, tpu.core_type = #tpu.core_type<sc_vector_subcore>, window_params = [{transform_indices = #map}, {transform_indices = #map1}, {transform_indices = #map2}, {transform_indices = #map2}]} {
    %dma_start3A = arith.constant 0 : i32
    %dma_start3A_0 = arith.constant 0 : i32
    %dma_start3A_1 = tpu.memref_slice %arg3[%arg0, %arg1, %dma_start3A, %dma_start3A_0] : memref<2x16x157x128xi32, #tpu.memory_space<hbm>> -> memref<1x1x157x128xi32, #tpu.memory_space<hbm>>
    %dma_start3A_2 = tpu.memref_squeeze %dma_start3A_1 : memref<1x1x157x128xi32, #tpu.memory_space<hbm>> -> memref<157x128xi32, #tpu.memory_space<hbm>>
    %dma_start3A_3 = arith.constant 0 : i32
    %dma_start3A_4 = arith.constant 0 : i32
    %dma_start3A_5 = tpu.memref_slice %arg3[%arg0, %arg1, %dma_start3A_3, %dma_start3A_4] : memref<2x16x157x128xi32, #tpu.memory_space<hbm>> -> memref<1x1x157x128xi32, #tpu.memory_space<hbm>>
    %dma_start3A_6 = tpu.memref_squeeze %dma_start3A_5 : memref<1x1x157x128xi32, #tpu.memory_space<hbm>> -> memref<157x128xi32, #tpu.memory_space<hbm>>
    tpu.enqueue_dma source(%dma_start3A_6 : memref<157x128xi32, #tpu.memory_space<hbm>>) target(%arg6 : memref<157x128xi32, #tpu.memory_space<vmem>>) target_semaphore(%arg12 : memref<!tpu.dma_semaphore, #tpu.memory_space<semaphore_mem>>)
    %dma_start3A_7 = arith.constant 0 : i32
    %dma_start3A_8 = arith.constant 0 : i32
    %dma_start3A_9 = tpu.memref_slice %arg4[%arg1, %dma_start3A_7, %dma_start3A_8] : memref<16x157x128xi32, #tpu.memory_space<hbm>> -> memref<1x157x128xi32, #tpu.memory_space<hbm>>
    %dma_start3A_10 = tpu.memref_squeeze %dma_start3A_9 : memref<1x157x128xi32, #tpu.memory_space<hbm>> -> memref<157x128xi32, #tpu.memory_space<hbm>>
    %dma_start3A_11 = arith.constant 0 : i32
    %dma_start3A_12 = arith.constant 0 : i32
    %dma_start3A_13 = tpu.memref_slice %arg4[%arg1, %dma_start3A_11, %dma_start3A_12] : memref<16x157x128xi32, #tpu.memory_space<hbm>> -> memref<1x157x128xi32, #tpu.memory_space<hbm>>
    %dma_start3A_14 = tpu.memref_squeeze %dma_start3A_13 : memref<1x157x128xi32, #tpu.memory_space<hbm>> -> memref<157x128xi32, #tpu.memory_space<hbm>>
    tpu.enqueue_dma source(%dma_start3A_14 : memref<157x128xi32, #tpu.memory_space<hbm>>) target(%arg7 : memref<157x128xi32, #tpu.memory_space<vmem>>) target_semaphore(%arg12 : memref<!tpu.dma_semaphore, #tpu.memory_space<semaphore_mem>>)
    %scan3A = arith.constant 0 : i32
    %scan3A_15 = arith.constant 0 : i32
    %scan3A_16 = arith.constant 128 : i32
    %scan3A_17 = arith.addi %scan3A_15, %scan3A_16 : i32
    %scan3A_18 = arith.constant 1 : i32
    scf.for %scan3A_73 = %scan3A_15 to %scan3A_17 step %scan3A_18  : i32 {
      %mul3A = arith.constant 1 : i32
      %mul3A_74 = arith.muli %scan3A_73, %mul3A : i32
      %add3A = arith.constant 0 : i32
      %add3A_75 = arith.addi %add3A, %mul3A_74 : i32
      %scan3A_76 = arith.constant 0 : i32
      %scan3A_77 = arith.constant 4 : i32
      %scan3A_78 = arith.addi %scan3A_76, %scan3A_77 : i32
      %scan3A_79 = arith.constant 1 : i32
      scf.for %scan3A_81 = %scan3A_76 to %scan3A_78 step %scan3A_79  : i32 {
        %mul3A_82 = arith.constant 16 : i32
        %mul3A_83 = arith.muli %scan3A_81, %mul3A_82 : i32
        %add3A_84 = arith.constant 0 : i32
        %add3A_85 = arith.addi %add3A_84, %mul3A_83 : i32
        %broadcast_in_dim3A = arith.constant 0.000000e+00 : f32
        %broadcast_in_dim3A_86 = vector.broadcast %broadcast_in_dim3A : f32 to vector<16xf32>
        %swap3A = arith.constant 0 : i32
        %swap3A_87 = arith.constant 0 : i32
        %swap3A_88 = tpu.memref_slice %arg8[%scan3A, %swap3A, %swap3A_87] : memref<6x128x64xf32, #tpu.memory_space<vmem>> -> memref<1x128x64xf32, #tpu.memory_space<vmem>>
        %swap3A_89 = tpu.memref_squeeze %swap3A_88 : memref<1x128x64xf32, #tpu.memory_space<vmem>> -> memref<128x64xf32, #tpu.memory_space<vmem>>
        %swap3A_90 = arith.index_cast %add3A_75 : i32 to index
        %swap3A_91 = arith.index_cast %add3A_85 : i32 to index
        %swap3A_92 = tpu.vector_load %swap3A_89[%swap3A_90, %swap3A_91] {strides = array<i32>} : memref<128x64xf32, #tpu.memory_space<vmem>>, vector<1x16xf32>,
        %swap3A_93 = vector.shape_cast %swap3A_92 : vector<1x16xf32> to vector<16xf32>
        %swap3A_94 = vector.shape_cast %broadcast_in_dim3A_86 : vector<16xf32> to vector<1x16xf32>
        tpu.vector_store %swap3A_89[%swap3A_90, %swap3A_91], %swap3A_94 {strides = array<i32>} : memref<128x64xf32, #tpu.memory_space<vmem>>, vector<1x16xf32>,
      }
      %scan3A_80 = arith.constant 4 : i32
    }
    %scan3A_19 = arith.constant 128 : i32
    %scan3A_20 = arith.constant 0 : i32
    %scan3A_21 = arith.constant 0 : i32
    %scan3A_22 = arith.constant 5 : i32
    %scan3A_23 = arith.addi %scan3A_21, %scan3A_22 : i32
    %scan3A_24 = arith.constant 1 : i32
    scf.for %scan3A_73 = %scan3A_21 to %scan3A_23 step %scan3A_24  : i32 {
      %mul3A = arith.constant 1 : i32
      %mul3A_74 = arith.muli %scan3A_73, %mul3A : i32
      %add3A = arith.constant 0 : i32
      %add3A_75 = arith.addi %add3A, %mul3A_74 : i32
      %mul3A_76 = arith.constant 640 : i32
      %mul3A_77 = arith.muli %arg1, %mul3A_76 : i32
      %mul3A_78 = arith.constant 128 : i32
      %mul3A_79 = arith.muli %add3A_75, %mul3A_78 : i32
      %add3A_80 = arith.addi %mul3A_77, %mul3A_79 : i32
      %dma_start3A_81 = arith.constant 0 : i32
      %dma_start3A_82 = arith.constant 0 : i32
      %dma_start3A_83 = tpu.memref_slice %arg8[%scan3A_20, %dma_start3A_81, %dma_start3A_82] : memref<6x128x64xf32, #tpu.memory_space<vmem>> -> memref<1x128x64xf32, #tpu.memory_space<vmem>>
      %dma_start3A_84 = tpu.memref_squeeze %dma_start3A_83 : memref<1x128x64xf32, #tpu.memory_space<vmem>> -> memref<128x64xf32, #tpu.memory_space<vmem>>
      %dma_start3A_85 = arith.constant 0 : i32
      %dma_start3A_86 = tpu.memref_slice %arg9[%add3A_80, %dma_start3A_85] : memref<10240x64xf32, #tpu.memory_space<vmem_shared>> -> memref<128x64xf32, #tpu.memory_space<vmem_shared>>
      %dma_start3A_87 = arith.constant 0 : i32
      %dma_start3A_88 = tpu.memref_slice %arg9[%add3A_80, %dma_start3A_87] : memref<10240x64xf32, #tpu.memory_space<vmem_shared>> -> memref<128x64xf32, #tpu.memory_space<vmem_shared>>
      %dma_start3A_89 = arith.constant 0 : i32
      %dma_start3A_90 = arith.constant 0 : i32
      %dma_start3A_91 = tpu.memref_slice %arg8[%scan3A_20, %dma_start3A_89, %dma_start3A_90] : memref<6x128x64xf32, #tpu.memory_space<vmem>> -> memref<1x128x64xf32, #tpu.memory_space<vmem>>
      %dma_start3A_92 = tpu.memref_squeeze %dma_start3A_91 : memref<1x128x64xf32, #tpu.memory_space<vmem>> -> memref<128x64xf32, #tpu.memory_space<vmem>>
      tpu.enqueue_dma source(%dma_start3A_92 : memref<128x64xf32, #tpu.memory_space<vmem>>) target(%dma_start3A_88 : memref<128x64xf32, #tpu.memory_space<vmem_shared>>) target_semaphore(%arg11 : memref<!tpu.dma_semaphore, #tpu.memory_space<semaphore_mem>>)
    }
    %scan3A_25 = arith.constant 5 : i32
    %scan3A_26 = arith.constant 0 : i32
    %scan3A_27 = arith.constant 0 : i32
    %scan3A_28 = arith.constant 5 : i32
    %scan3A_29 = arith.addi %scan3A_27, %scan3A_28 : i32
    %scan3A_30 = arith.constant 1 : i32
    scf.for %scan3A_73 = %scan3A_27 to %scan3A_29 step %scan3A_30  : i32 {
      %mul3A = arith.constant 1 : i32
      %mul3A_74 = arith.muli %scan3A_73, %mul3A : i32
      %add3A = arith.constant 0 : i32
      %add3A_75 = arith.addi %add3A, %mul3A_74 : i32
      %mul3A_76 = arith.constant 640 : i32
      %mul3A_77 = arith.muli %arg1, %mul3A_76 : i32
      %mul3A_78 = arith.constant 128 : i32
      %mul3A_79 = arith.muli %add3A_75, %mul3A_78 : i32
      %add3A_80 = arith.addi %mul3A_77, %mul3A_79 : i32
      %dma_wait3A_81 = arith.constant 0 : i32
      %dma_wait3A_82 = arith.constant 0 : i32
      %dma_wait3A_83 = tpu.memref_slice %arg8[%scan3A_26, %dma_wait3A_81, %dma_wait3A_82] : memref<6x128x64xf32, #tpu.memory_space<vmem>> -> memref<1x128x64xf32, #tpu.memory_space<vmem>>
      %dma_wait3A_84 = tpu.memref_squeeze %dma_wait3A_83 : memref<1x128x64xf32, #tpu.memory_space<vmem>> -> memref<128x64xf32, #tpu.memory_space<vmem>>
      %dma_wait3A_85 = arith.constant 0 : i32
      %dma_wait3A_86 = tpu.memref_slice %arg9[%add3A_80, %dma_wait3A_85] : memref<10240x64xf32, #tpu.memory_space<vmem_shared>> -> memref<128x64xf32, #tpu.memory_space<vmem_shared>>
      %dma_wait3A_87 = arith.constant 0 : i32
      %dma_wait3A_88 = tpu.memref_slice %arg9[%add3A_80, %dma_wait3A_87] : memref<10240x64xf32, #tpu.memory_space<vmem_shared>> -> memref<128x64xf32, #tpu.memory_space<vmem_shared>>
      %dma_wait3A_89 = arith.constant 0 : i32
      %dma_wait3A_90 = arith.constant 0 : i32
      %dma_wait3A_91 = tpu.memref_slice %arg8[%scan3A_26, %dma_wait3A_89, %dma_wait3A_90] : memref<6x128x64xf32, #tpu.memory_space<vmem>> -> memref<1x128x64xf32, #tpu.memory_space<vmem>>
      %dma_wait3A_92 = tpu.memref_squeeze %dma_wait3A_91 : memref<1x128x64xf32, #tpu.memory_space<vmem>> -> memref<128x64xf32, #tpu.memory_space<vmem>>
      tpu.wait_dma2 semaphore(%arg11 : memref<!tpu.dma_semaphore, #tpu.memory_space<semaphore_mem>>) src(%dma_wait3A_92 : memref<128x64xf32, #tpu.memory_space<vmem>>) dst(%dma_wait3A_88 : memref<128x64xf32, #tpu.memory_space<vmem_shared>>)
    }
    %scan3A_31 = arith.constant 5 : i32
    %dma_wait3A = arith.constant 0 : i32
    %dma_wait3A_32 = arith.constant 0 : i32
    %dma_wait3A_33 = tpu.memref_slice %arg3[%arg0, %arg1, %dma_wait3A, %dma_wait3A_32] : memref<2x16x157x128xi32, #tpu.memory_space<hbm>> -> memref<1x1x157x128xi32, #tpu.memory_space<hbm>>
    %dma_wait3A_34 = tpu.memref_squeeze %dma_wait3A_33 : memref<1x1x157x128xi32, #tpu.memory_space<hbm>> -> memref<157x128xi32, #tpu.memory_space<hbm>>
    %dma_wait3A_35 = arith.constant 0 : i32
    %dma_wait3A_36 = arith.constant 0 : i32
    %dma_wait3A_37 = tpu.memref_slice %arg3[%arg0, %arg1, %dma_wait3A_35, %dma_wait3A_36] : memref<2x16x157x128xi32, #tpu.memory_space<hbm>> -> memref<1x1x157x128xi32, #tpu.memory_space<hbm>>
    %dma_wait3A_38 = tpu.memref_squeeze %dma_wait3A_37 : memref<1x1x157x128xi32, #tpu.memory_space<hbm>> -> memref<157x128xi32, #tpu.memory_space<hbm>>
    tpu.wait_dma2 semaphore(%arg12 : memref<!tpu.dma_semaphore, #tpu.memory_space<semaphore_mem>>) src(%dma_wait3A_38 : memref<157x128xi32, #tpu.memory_space<hbm>>) dst(%arg6 : memref<157x128xi32, #tpu.memory_space<vmem>>)
    %dma_wait3A_39 = arith.constant 0 : i32
    %dma_wait3A_40 = arith.constant 0 : i32
    %dma_wait3A_41 = tpu.memref_slice %arg4[%arg1, %dma_wait3A_39, %dma_wait3A_40] : memref<16x157x128xi32, #tpu.memory_space<hbm>> -> memref<1x157x128xi32, #tpu.memory_space<hbm>>
    %dma_wait3A_42 = tpu.memref_squeeze %dma_wait3A_41 : memref<1x157x128xi32, #tpu.memory_space<hbm>> -> memref<157x128xi32, #tpu.memory_space<hbm>>
    %dma_wait3A_43 = arith.constant 0 : i32
    %dma_wait3A_44 = arith.constant 0 : i32
    %dma_wait3A_45 = tpu.memref_slice %arg4[%arg1, %dma_wait3A_43, %dma_wait3A_44] : memref<16x157x128xi32, #tpu.memory_space<hbm>> -> memref<1x157x128xi32, #tpu.memory_space<hbm>>
    %dma_wait3A_46 = tpu.memref_squeeze %dma_wait3A_45 : memref<1x157x128xi32, #tpu.memory_space<hbm>> -> memref<157x128xi32, #tpu.memory_space<hbm>>
    tpu.wait_dma2 semaphore(%arg12 : memref<!tpu.dma_semaphore, #tpu.memory_space<semaphore_mem>>) src(%dma_wait3A_46 : memref<157x128xi32, #tpu.memory_space<hbm>>) dst(%arg7 : memref<157x128xi32, #tpu.memory_space<vmem>>)
    %barrier3A = arith.constant 0 : index
    tpu.barrier barrier_id(%barrier3A)
    %scan3A_47 = arith.constant 0 : i32
    %scan3A_48 = arith.constant 6 : i32
    %scan3A_49 = arith.addi %scan3A_47, %scan3A_48 : i32
    %scan3A_50 = arith.constant 1 : i32
    scf.for %scan3A_73 = %scan3A_47 to %scan3A_49 step %scan3A_50  : i32 {
      %mul3A = arith.constant 1 : i32
      %mul3A_74 = arith.muli %scan3A_73, %mul3A : i32
      %add3A = arith.constant 0 : i32
      %add3A_75 = arith.addi %add3A, %mul3A_74 : i32
      %rem3A = arith.constant 6 : i32
      %rem3A_76 = arith.remsi %add3A_75, %rem3A : i32
      %dma_start3A_77 = arith.constant 0 : i32
      %dma_start3A_78 = arith.constant 0 : i32
      %dma_start3A_79 = tpu.memref_slice %arg8[%rem3A_76, %dma_start3A_77, %dma_start3A_78] : memref<6x128x64xf32, #tpu.memory_space<vmem>> -> memref<1x128x64xf32, #tpu.memory_space<vmem>>
      %dma_start3A_80 = tpu.memref_squeeze %dma_start3A_79 : memref<1x128x64xf32, #tpu.memory_space<vmem>> -> memref<128x64xf32, #tpu.memory_space<vmem>>
      %dma_start3A_81 = arith.constant 0 : i32
      %dma_start3A_82 = tpu.memref_slice %arg6[%add3A_75, %dma_start3A_81] : memref<157x128xi32, #tpu.memory_space<vmem>> -> memref<1x128xi32, #tpu.memory_space<vmem>>
      %dma_start3A_83 = tpu.memref_squeeze %dma_start3A_82 : memref<1x128xi32, #tpu.memory_space<vmem>> -> memref<128xi32, #tpu.memory_space<vmem>>
      %dma_start3A_84 = arith.constant 0 : i32
      %dma_start3A_85 = arith.constant 0 : i32
      %dma_start3A_86 = tpu.memref_slice %arg2[%dma_start3A_84, %dma_start3A_85] : memref<20000x64xf32, #tpu.memory_space<hbm>> -> memref<20000x64xf32, #tpu.memory_space<hbm>>
      tpu.enqueue_indirect_dma source(%dma_start3A_86 : memref<20000x64xf32, #tpu.memory_space<hbm>>) target(%dma_start3A_80 : memref<128x64xf32, #tpu.memory_space<vmem>>) offsets(%dma_start3A_83 : memref<128xi32, #tpu.memory_space<vmem>>) semaphore(%arg10 : memref<!tpu.dma_semaphore, #tpu.memory_space<semaphore_mem>>)
    }
    %scan3A_51 = arith.constant 6 : i32
    %scan3A_52 = arith.constant 0 : i32
    %scan3A_53 = arith.constant 157 : i32
    %scan3A_54 = arith.addi %scan3A_52, %scan3A_53 : i32
    %scan3A_55 = arith.constant 1 : i32
    scf.for %scan3A_73 = %scan3A_52 to %scan3A_54 step %scan3A_55  : i32 {
      %mul3A = arith.constant 1 : i32
      %mul3A_74 = arith.muli %scan3A_73, %mul3A : i32
      %add3A = arith.constant 0 : i32
      %add3A_75 = arith.addi %add3A, %mul3A_74 : i32
      %rem3A = arith.constant 6 : i32
      %rem3A_76 = arith.remsi %add3A_75, %rem3A : i32
      %dma_wait3A_77 = arith.constant 0 : i32
      %dma_wait3A_78 = arith.constant 0 : i32
      %dma_wait3A_79 = tpu.memref_slice %arg8[%rem3A_76, %dma_wait3A_77, %dma_wait3A_78] : memref<6x128x64xf32, #tpu.memory_space<vmem>> -> memref<1x128x64xf32, #tpu.memory_space<vmem>>
      %dma_wait3A_80 = tpu.memref_squeeze %dma_wait3A_79 : memref<1x128x64xf32, #tpu.memory_space<vmem>> -> memref<128x64xf32, #tpu.memory_space<vmem>>
      %dma_wait3A_81 = arith.constant 0 : i32
      %dma_wait3A_82 = tpu.memref_slice %arg6[%add3A_75, %dma_wait3A_81] : memref<157x128xi32, #tpu.memory_space<vmem>> -> memref<1x128xi32, #tpu.memory_space<vmem>>
      %dma_wait3A_83 = tpu.memref_squeeze %dma_wait3A_82 : memref<1x128xi32, #tpu.memory_space<vmem>> -> memref<128xi32, #tpu.memory_space<vmem>>
      %dma_wait3A_84 = arith.constant 0 : i32
      %dma_wait3A_85 = arith.constant 0 : i32
      %dma_wait3A_86 = tpu.memref_slice %arg2[%dma_wait3A_84, %dma_wait3A_85] : memref<20000x64xf32, #tpu.memory_space<hbm>> -> memref<20000x64xf32, #tpu.memory_space<hbm>>
      tpu.wait_indirect_dma semaphore(%arg10 : memref<!tpu.dma_semaphore, #tpu.memory_space<semaphore_mem>>) src(%dma_wait3A_86 : memref<20000x64xf32, #tpu.memory_space<hbm>>) dst(%dma_wait3A_80 : memref<128x64xf32, #tpu.memory_space<vmem>>)
      %rem3A_87 = arith.constant 6 : i32
      %rem3A_88 = arith.remsi %add3A_75, %rem3A_87 : i32
      %dma_start3A_89 = arith.constant 0 : i32
      %dma_start3A_90 = arith.constant 0 : i32
      %dma_start3A_91 = tpu.memref_slice %arg8[%rem3A_88, %dma_start3A_89, %dma_start3A_90] : memref<6x128x64xf32, #tpu.memory_space<vmem>> -> memref<1x128x64xf32, #tpu.memory_space<vmem>>
      %dma_start3A_92 = tpu.memref_squeeze %dma_start3A_91 : memref<1x128x64xf32, #tpu.memory_space<vmem>> -> memref<128x64xf32, #tpu.memory_space<vmem>>
      %dma_start3A_93 = arith.constant 0 : i32
      %dma_start3A_94 = tpu.memref_slice %arg7[%add3A_75, %dma_start3A_93] : memref<157x128xi32, #tpu.memory_space<vmem>> -> memref<1x128xi32, #tpu.memory_space<vmem>>
      %dma_start3A_95 = tpu.memref_squeeze %dma_start3A_94 : memref<1x128xi32, #tpu.memory_space<vmem>> -> memref<128xi32, #tpu.memory_space<vmem>>
      %dma_start3A_96 = arith.constant 0 : i32
      %dma_start3A_97 = arith.constant 0 : i32
      %dma_start3A_98 = tpu.memref_slice %arg9[%dma_start3A_96, %dma_start3A_97] : memref<10240x64xf32, #tpu.memory_space<vmem_shared>> -> memref<10240x64xf32, #tpu.memory_space<vmem_shared>>
      tpu.enqueue_indirect_dma source(%dma_start3A_92 : memref<128x64xf32, #tpu.memory_space<vmem>>) target(%dma_start3A_98 : memref<10240x64xf32, #tpu.memory_space<vmem_shared>>) offsets(%dma_start3A_95 : memref<128xi32, #tpu.memory_space<vmem>>) semaphore(%arg11 : memref<!tpu.dma_semaphore, #tpu.memory_space<semaphore_mem>>) {add = true}
      %ge3A = arith.constant 3 : i32
      %ge3A_99 = arith.cmpi sge, %add3A_75, %ge3A : i32
      %convert_element_type3A = arith.extui %ge3A_99 : i1 to i32
      %cond3A = arith.constant 0 : i32
      %cond3A_100 = arith.cmpi ne, %convert_element_type3A, %cond3A : i32
      scf.if %cond3A_100 {
        %sub3A = arith.constant 3 : i32
        %sub3A_101 = arith.subi %add3A_75, %sub3A : i32
        %rem3A_102 = arith.constant 6 : i32
        %rem3A_103 = arith.remsi %sub3A_101, %rem3A_102 : i32
        %dma_wait3A_104 = arith.constant 0 : i32
        %dma_wait3A_105 = arith.constant 0 : i32
        %dma_wait3A_106 = tpu.memref_slice %arg8[%rem3A_103, %dma_wait3A_104, %dma_wait3A_105] : memref<6x128x64xf32, #tpu.memory_space<vmem>> -> memref<1x128x64xf32, #tpu.memory_space<vmem>>
        %dma_wait3A_107 = tpu.memref_squeeze %dma_wait3A_106 : memref<1x128x64xf32, #tpu.memory_space<vmem>> -> memref<128x64xf32, #tpu.memory_space<vmem>>
        %dma_wait3A_108 = arith.constant 0 : i32
        %dma_wait3A_109 = tpu.memref_slice %arg7[%sub3A_101, %dma_wait3A_108] : memref<157x128xi32, #tpu.memory_space<vmem>> -> memref<1x128xi32, #tpu.memory_space<vmem>>
        %dma_wait3A_110 = tpu.memref_squeeze %dma_wait3A_109 : memref<1x128xi32, #tpu.memory_space<vmem>> -> memref<128xi32, #tpu.memory_space<vmem>>
        %dma_wait3A_111 = arith.constant 0 : i32
        %dma_wait3A_112 = arith.constant 0 : i32
        %dma_wait3A_113 = tpu.memref_slice %arg9[%dma_wait3A_111, %dma_wait3A_112] : memref<10240x64xf32, #tpu.memory_space<vmem_shared>> -> memref<10240x64xf32, #tpu.memory_space<vmem_shared>>
        tpu.wait_indirect_dma semaphore(%arg11 : memref<!tpu.dma_semaphore, #tpu.memory_space<semaphore_mem>>) src(%dma_wait3A_107 : memref<128x64xf32, #tpu.memory_space<vmem>>) dst(%dma_wait3A_113 : memref<10240x64xf32, #tpu.memory_space<vmem_shared>>)
        %add3A_114 = arith.constant 6 : i32
        %add3A_115 = arith.addi %add3A_75, %add3A_114 : i32
        %sub3A_116 = arith.constant 3 : i32
        %sub3A_117 = arith.subi %add3A_115, %sub3A_116 : i32
        %lt3A = arith.constant 157 : i32
        %lt3A_118 = arith.cmpi slt, %sub3A_117, %lt3A : i32
        %convert_element_type3A_119 = arith.extui %lt3A_118 : i1 to i32
        %cond3A_120 = arith.constant 0 : i32
        %cond3A_121 = arith.cmpi ne, %convert_element_type3A_119, %cond3A_120 : i32
        scf.if %cond3A_121 {
          %add3A_122 = arith.constant 6 : i32
          %add3A_123 = arith.addi %add3A_75, %add3A_122 : i32
          %sub3A_124 = arith.constant 3 : i32
          %sub3A_125 = arith.subi %add3A_123, %sub3A_124 : i32
          %rem3A_126 = arith.constant 6 : i32
          %rem3A_127 = arith.remsi %sub3A_125, %rem3A_126 : i32
          %dma_start3A_128 = arith.constant 0 : i32
          %dma_start3A_129 = arith.constant 0 : i32
          %dma_start3A_130 = tpu.memref_slice %arg8[%rem3A_127, %dma_start3A_128, %dma_start3A_129] : memref<6x128x64xf32, #tpu.memory_space<vmem>> -> memref<1x128x64xf32, #tpu.memory_space<vmem>>
          %dma_start3A_131 = tpu.memref_squeeze %dma_start3A_130 : memref<1x128x64xf32, #tpu.memory_space<vmem>> -> memref<128x64xf32, #tpu.memory_space<vmem>>
          %dma_start3A_132 = arith.constant 0 : i32
          %dma_start3A_133 = tpu.memref_slice %arg6[%sub3A_125, %dma_start3A_132] : memref<157x128xi32, #tpu.memory_space<vmem>> -> memref<1x128xi32, #tpu.memory_space<vmem>>
          %dma_start3A_134 = tpu.memref_squeeze %dma_start3A_133 : memref<1x128xi32, #tpu.memory_space<vmem>> -> memref<128xi32, #tpu.memory_space<vmem>>
          %dma_start3A_135 = arith.constant 0 : i32
          %dma_start3A_136 = arith.constant 0 : i32
          %dma_start3A_137 = tpu.memref_slice %arg2[%dma_start3A_135, %dma_start3A_136] : memref<20000x64xf32, #tpu.memory_space<hbm>> -> memref<20000x64xf32, #tpu.memory_space<hbm>>
          tpu.enqueue_indirect_dma source(%dma_start3A_137 : memref<20000x64xf32, #tpu.memory_space<hbm>>) target(%dma_start3A_131 : memref<128x64xf32, #tpu.memory_space<vmem>>) offsets(%dma_start3A_134 : memref<128xi32, #tpu.memory_space<vmem>>) semaphore(%arg10 : memref<!tpu.dma_semaphore, #tpu.memory_space<semaphore_mem>>)
        } else {
        }
      } else {
      }
    }
    %scan3A_56 = arith.constant 157 : i32
    %scan3A_57 = arith.constant 0 : i32
    %scan3A_58 = arith.constant 3 : i32
    %scan3A_59 = arith.addi %scan3A_57, %scan3A_58 : i32
    %scan3A_60 = arith.constant 1 : i32
    scf.for %scan3A_73 = %scan3A_57 to %scan3A_59 step %scan3A_60  : i32 {
      %mul3A = arith.constant 1 : i32
      %mul3A_74 = arith.muli %scan3A_73, %mul3A : i32
      %add3A = arith.constant 154 : i32
      %add3A_75 = arith.addi %add3A, %mul3A_74 : i32
      %rem3A = arith.constant 6 : i32
      %rem3A_76 = arith.remsi %add3A_75, %rem3A : i32
      %dma_wait3A_77 = arith.constant 0 : i32
      %dma_wait3A_78 = arith.constant 0 : i32
      %dma_wait3A_79 = tpu.memref_slice %arg8[%rem3A_76, %dma_wait3A_77, %dma_wait3A_78] : memref<6x128x64xf32, #tpu.memory_space<vmem>> -> memref<1x128x64xf32, #tpu.memory_space<vmem>>
      %dma_wait3A_80 = tpu.memref_squeeze %dma_wait3A_79 : memref<1x128x64xf32, #tpu.memory_space<vmem>> -> memref<128x64xf32, #tpu.memory_space<vmem>>
      %dma_wait3A_81 = arith.constant 0 : i32
      %dma_wait3A_82 = tpu.memref_slice %arg7[%add3A_75, %dma_wait3A_81] : memref<157x128xi32, #tpu.memory_space<vmem>> -> memref<1x128xi32, #tpu.memory_space<vmem>>
      %dma_wait3A_83 = tpu.memref_squeeze %dma_wait3A_82 : memref<1x128xi32, #tpu.memory_space<vmem>> -> memref<128xi32, #tpu.memory_space<vmem>>
      %dma_wait3A_84 = arith.constant 0 : i32
      %dma_wait3A_85 = arith.constant 0 : i32
      %dma_wait3A_86 = tpu.memref_slice %arg9[%dma_wait3A_84, %dma_wait3A_85] : memref<10240x64xf32, #tpu.memory_space<vmem_shared>> -> memref<10240x64xf32, #tpu.memory_space<vmem_shared>>
      tpu.wait_indirect_dma semaphore(%arg11 : memref<!tpu.dma_semaphore, #tpu.memory_space<semaphore_mem>>) src(%dma_wait3A_80 : memref<128x64xf32, #tpu.memory_space<vmem>>) dst(%dma_wait3A_86 : memref<10240x64xf32, #tpu.memory_space<vmem_shared>>)
    }
    %scan3A_61 = arith.constant 3 : i32
    %barrier3A_62 = arith.constant 0 : index
    tpu.barrier barrier_id(%barrier3A_62)
    %scan3A_63 = arith.constant 0 : i32
    %scan3A_64 = arith.constant 5 : i32
    %scan3A_65 = arith.addi %scan3A_63, %scan3A_64 : i32
    %scan3A_66 = arith.constant 1 : i32
    scf.for %scan3A_73 = %scan3A_63 to %scan3A_65 step %scan3A_66  : i32 {
      %mul3A = arith.constant 1 : i32
      %mul3A_74 = arith.muli %scan3A_73, %mul3A : i32
      %add3A = arith.constant 0 : i32
      %add3A_75 = arith.addi %add3A, %mul3A_74 : i32
      %mul3A_76 = arith.constant 640 : i32
      %mul3A_77 = arith.muli %arg1, %mul3A_76 : i32
      %mul3A_78 = arith.constant 128 : i32
      %mul3A_79 = arith.muli %add3A_75, %mul3A_78 : i32
      %add3A_80 = arith.addi %mul3A_77, %mul3A_79 : i32
      %dma_start3A_81 = arith.constant 0 : i32
      %dma_start3A_82 = tpu.memref_slice %arg5[%arg0, %add3A_80, %dma_start3A_81] : memref<2x10240x128xf32, #tpu.memory_space<hbm>> -> memref<1x128x64xf32, #tpu.memory_space<hbm>>
      %dma_start3A_83 = tpu.memref_squeeze %dma_start3A_82 : memref<1x128x64xf32, #tpu.memory_space<hbm>> -> memref<128x64xf32, #tpu.memory_space<hbm>>
      %dma_start3A_84 = arith.constant 0 : i32
      %dma_start3A_85 = tpu.memref_slice %arg9[%add3A_80, %dma_start3A_84] : memref<10240x64xf32, #tpu.memory_space<vmem_shared>> -> memref<128x64xf32, #tpu.memory_space<vmem_shared>>
      tpu.enqueue_dma source(%dma_start3A_85 : memref<128x64xf32, #tpu.memory_space<vmem_shared>>) target(%dma_start3A_83 : memref<128x64xf32, #tpu.memory_space<hbm>>) target_semaphore(%arg12 : memref<!tpu.dma_semaphore, #tpu.memory_space<semaphore_mem>>)
    }
    %scan3A_67 = arith.constant 5 : i32
    %scan3A_68 = arith.constant 0 : i32
    %scan3A_69 = arith.constant 5 : i32
    %scan3A_70 = arith.addi %scan3A_68, %scan3A_69 : i32
    %scan3A_71 = arith.constant 1 : i32
    scf.for %scan3A_73 = %scan3A_68 to %scan3A_70 step %scan3A_71  : i32 {
      %mul3A = arith.constant 1 : i32
      %mul3A_74 = arith.muli %scan3A_73, %mul3A : i32
      %add3A = arith.constant 0 : i32
      %add3A_75 = arith.addi %add3A, %mul3A_74 : i32
      %mul3A_76 = arith.constant 640 : i32
      %mul3A_77 = arith.muli %arg1, %mul3A_76 : i32
      %mul3A_78 = arith.constant 128 : i32
      %mul3A_79 = arith.muli %add3A_75, %mul3A_78 : i32
      %add3A_80 = arith.addi %mul3A_77, %mul3A_79 : i32
      %dma_wait3A_81 = arith.constant 0 : i32
      %dma_wait3A_82 = tpu.memref_slice %arg5[%arg0, %add3A_80, %dma_wait3A_81] : memref<2x10240x128xf32, #tpu.memory_space<hbm>> -> memref<1x128x64xf32, #tpu.memory_space<hbm>>
      %dma_wait3A_83 = tpu.memref_squeeze %dma_wait3A_82 : memref<1x128x64xf32, #tpu.memory_space<hbm>> -> memref<128x64xf32, #tpu.memory_space<hbm>>
      %dma_wait3A_84 = arith.constant 0 : i32
      %dma_wait3A_85 = tpu.memref_slice %arg9[%add3A_80, %dma_wait3A_84] : memref<10240x64xf32, #tpu.memory_space<vmem_shared>> -> memref<128x64xf32, #tpu.memory_space<vmem_shared>>
      tpu.wait_dma2 semaphore(%arg12 : memref<!tpu.dma_semaphore, #tpu.memory_space<semaphore_mem>>) src(%dma_wait3A_85 : memref<128x64xf32, #tpu.memory_space<vmem_shared>>) dst(%dma_wait3A_83 : memref<128x64xf32, #tpu.memory_space<hbm>>)
    }
    %scan3A_72 = arith.constant 5 : i32
    return
  }
}

module attributes {stable_mosaic.version = 14 : i64} {
  func.func @body(%arg0: i32, %arg1: memref<2x2048xf32, #tpu.memory_space<vmem>>, %arg2: memref<2048x128xf32, #tpu.memory_space<vmem>>, %arg3: memref<128x128xf32, #tpu.memory_space<vmem>>, %arg4: memref<2048x128xf32, #tpu.memory_space<vmem>>, %arg5: memref<2048x1xf32, #tpu.memory_space<vmem>>) attributes {dimension_semantics = [#tpu.dimension_semantics<arbitrary>], iteration_bounds = array<i64: 5>, scalar_prefetch = 0 : i64, scratch_operands = 0 : i64, tpu.core_type = #tpu.core_type<tc>, window_params = [{transform_indices = @transform_0, window_bounds = array<i64: 2, 2048>}, {transform_indices = @transform_1, window_bounds = array<i64: 2048, 128>}, {pipeline_mode = #tpu.pipeline_mode<synchronous>, transform_indices = @transform_2, window_bounds = array<i64: 128, 128>}, {transform_indices = @transform_3, window_bounds = array<i64: 2048, 128>}, {transform_indices = @transform_4, window_bounds = array<i64: 2048, 1>}]} {
    %get3A = arith.constant 0 : index
    %get3A_0 = arith.constant 0 : index
    %get3A_1 = vector.load %arg1[%get3A, %get3A_0] : memref<2x2048xf32, #tpu.memory_space<vmem>>, vector<1x2048xf32>
    %get3A_2 = vector.shape_cast %get3A_1 : vector<1x2048xf32> to vector<2048xf32>
    %get3A_3 = arith.constant 1 : index
    %get3A_4 = arith.constant 0 : index
    %get3A_5 = vector.load %arg1[%get3A_3, %get3A_4] : memref<2x2048xf32, #tpu.memory_space<vmem>>, vector<1x2048xf32>
    %get3A_6 = vector.shape_cast %get3A_5 : vector<1x2048xf32> to vector<2048xf32>
    %add3A = arith.addf %get3A_2, %get3A_6 : vector<2048xf32>
    %add3A_7 = arith.constant 1.000000e+00 : f32
    %add3A_8 = vector.broadcast %add3A_7 : f32 to vector<2048xf32>
    %add3A_9 = arith.addf %add3A, %add3A_8 : vector<2048xf32>
    %rsqrt3A = math.rsqrt %add3A_9 : vector<2048xf32>
    %get3A_10 = arith.constant 0 : index
    %get3A_11 = arith.constant 0 : index
    %get3A_12 = vector.load %arg2[%get3A_10, %get3A_11] : memref<2048x128xf32, #tpu.memory_space<vmem>>, vector<2048x128xf32>
    %get3A_13 = arith.constant 0 : index
    %get3A_14 = arith.constant 0 : index
    %get3A_15 = vector.load %arg3[%get3A_13, %get3A_14] : memref<128x128xf32, #tpu.memory_space<vmem>>, vector<128x128xf32>
    %dot_general3A = arith.constant dense<0.000000e+00> : vector<2048x128xf32>
    %dot_general3A_16 = tpu.matmul %get3A_12, %get3A_15, %dot_general3A {dimension_numbers = #tpu.dot_dimension_numbers<[1], [0], [0], [1], [0, 0, 1, 1], [], []>, precision = #tpu.contract_precision<fp32>, transpose_lhs_hint = false} : vector<2048x128xf32>, vector<128x128xf32>, vector<2048x128xf32> -> vector<2048x128xf32>
    %broadcast_in_dim3A = vector.shape_cast %rsqrt3A : vector<2048xf32> to vector<2048x1xf32>
    %mul3A = vector.broadcast %broadcast_in_dim3A : vector<2048x1xf32> to vector<2048x128xf32>
    %mul3A_17 = arith.mulf %dot_general3A_16, %mul3A : vector<2048x128xf32>
    %swap3A = arith.constant 0 : index
    %swap3A_18 = arith.constant 0 : index
    %swap3A_19 = vector.load %arg4[%swap3A, %swap3A_18] : memref<2048x128xf32, #tpu.memory_space<vmem>>, vector<2048x128xf32>
    tpu.vector_store %arg4[%swap3A, %swap3A_18], %mul3A_17 {strides = array<i32>} : memref<2048x128xf32, #tpu.memory_space<vmem>>, vector<2048x128xf32>,
    %broadcast_in_dim3A_20 = vector.shape_cast %rsqrt3A : vector<2048xf32> to vector<2048x1xf32>
    %swap3A_21 = arith.constant 0 : index
    %swap3A_22 = arith.constant 0 : index
    %swap3A_23 = vector.load %arg5[%swap3A_21, %swap3A_22] : memref<2048x1xf32, #tpu.memory_space<vmem>>, vector<2048x1xf32>
    tpu.vector_store %arg5[%swap3A_21, %swap3A_22], %broadcast_in_dim3A_20 {strides = array<i32>} : memref<2048x1xf32, #tpu.memory_space<vmem>>, vector<2048x1xf32>,
    return
  }
  func.func @transform_0(%arg0: i32) -> (i32, i32) {
    %c0_i32 = arith.constant 0 : i32
    %c0_i32_0 = arith.constant 0 : i32
    return %c0_i32, %arg0 : i32, i32
  }
  func.func @transform_1(%arg0: i32) -> (i32, i32) {
    %c0_i32 = arith.constant 0 : i32
    %c0_i32_0 = arith.constant 0 : i32
    return %arg0, %c0_i32 : i32, i32
  }
  func.func @transform_2(%arg0: i32) -> (i32, i32) {
    %c0_i32 = arith.constant 0 : i32
    %c0_i32_0 = arith.constant 0 : i32
    %c0_i32_1 = arith.constant 0 : i32
    return %c0_i32, %c0_i32_0 : i32, i32
  }
  func.func @transform_3(%arg0: i32) -> (i32, i32) {
    %c0_i32 = arith.constant 0 : i32
    %c0_i32_0 = arith.constant 0 : i32
    return %arg0, %c0_i32 : i32, i32
  }
  func.func @transform_4(%arg0: i32) -> (i32, i32) {
    %c0_i32 = arith.constant 0 : i32
    %c0_i32_0 = arith.constant 0 : i32
    return %arg0, %c0_i32 : i32, i32
  }
}

module attributes {stable_mosaic.version = 14 : i64} {
  func.func @body(%arg0: i32, %arg1: memref<2x2048x128xf32, #tpu.memory_space<vmem>>, %arg2: memref<2048x128xf32, #tpu.memory_space<vmem>>, %arg3: memref<2048x1xf32, #tpu.memory_space<vmem>>, %arg4: memref<1x128xf32, #tpu.memory_space<vmem>>, %arg5: memref<2048x128xf32, #tpu.memory_space<vmem>>) attributes {dimension_semantics = [#tpu.dimension_semantics<arbitrary>], iteration_bounds = array<i64: 5>, scalar_prefetch = 0 : i64, scratch_operands = 0 : i64, tpu.core_type = #tpu.core_type<tc>, window_params = [{transform_indices = @transform_0, window_bounds = array<i64: 2, 2048, 128>}, {transform_indices = @transform_1, window_bounds = array<i64: 2048, 128>}, {transform_indices = @transform_2, window_bounds = array<i64: 2048, 1>}, {pipeline_mode = #tpu.pipeline_mode<synchronous>, transform_indices = @transform_3, window_bounds = array<i64: 1, 128>}, {transform_indices = @transform_4, window_bounds = array<i64: 2048, 128>}]} {
    %get3A = arith.constant 0 : index
    %get3A_0 = arith.constant 0 : index
    %get3A_1 = arith.constant 0 : index
    %get3A_2 = vector.load %arg1[%get3A, %get3A_0, %get3A_1] : memref<2x2048x128xf32, #tpu.memory_space<vmem>>, vector<1x2048x128xf32>
    %get3A_3 = vector.shape_cast %get3A_2 : vector<1x2048x128xf32> to vector<2048x128xf32>
    %slice3A = vector.extract_strided_slice %get3A_3 {offsets = [0, 0], sizes = [2048, 64], strides = [1, 1]} : vector<2048x128xf32> to vector<2048x64xf32>
    %get3A_4 = arith.constant 1 : index
    %get3A_5 = arith.constant 0 : index
    %get3A_6 = arith.constant 0 : index
    %get3A_7 = vector.load %arg1[%get3A_4, %get3A_5, %get3A_6] : memref<2x2048x128xf32, #tpu.memory_space<vmem>>, vector<1x2048x128xf32>
    %get3A_8 = vector.shape_cast %get3A_7 : vector<1x2048x128xf32> to vector<2048x128xf32>
    %slice3A_9 = vector.extract_strided_slice %get3A_8 {offsets = [0, 0], sizes = [2048, 64], strides = [1, 1]} : vector<2048x128xf32> to vector<2048x64xf32>
    %concatenate3A = tpu.concatenate %slice3A, %slice3A_9 in 1 : vector<2048x64xf32>, vector<2048x64xf32> -> vector<2048x128xf32>
    %get3A_10 = arith.constant 0 : index
    %get3A_11 = arith.constant 0 : index
    %get3A_12 = vector.load %arg2[%get3A_10, %get3A_11] : memref<2048x128xf32, #tpu.memory_space<vmem>>, vector<2048x128xf32>
    %add3A = arith.addf %concatenate3A, %get3A_12 : vector<2048x128xf32>
    %get3A_13 = arith.constant 0 : index
    %get3A_14 = arith.constant 0 : index
    %get3A_15 = vector.load %arg3[%get3A_13, %get3A_14] : memref<2048x1xf32, #tpu.memory_space<vmem>>, vector<2048x1xf32>
    %mul3A = vector.broadcast %get3A_15 : vector<2048x1xf32> to vector<2048x128xf32>
    %mul3A_16 = arith.mulf %add3A, %mul3A : vector<2048x128xf32>
    %get3A_17 = arith.constant 0 : index
    %get3A_18 = arith.constant 0 : index
    %get3A_19 = vector.load %arg4[%get3A_17, %get3A_18] : memref<1x128xf32, #tpu.memory_space<vmem>>, vector<1x128xf32>
    %add3A_20 = vector.broadcast %get3A_19 : vector<1x128xf32> to vector<2048x128xf32>
    %add3A_21 = arith.addf %mul3A_16, %add3A_20 : vector<2048x128xf32>
    %swap3A = arith.constant 0 : index
    %swap3A_22 = arith.constant 0 : index
    %swap3A_23 = vector.load %arg5[%swap3A, %swap3A_22] : memref<2048x128xf32, #tpu.memory_space<vmem>>, vector<2048x128xf32>
    tpu.vector_store %arg5[%swap3A, %swap3A_22], %add3A_21 {strides = array<i32>} : memref<2048x128xf32, #tpu.memory_space<vmem>>, vector<2048x128xf32>,
    return
  }
  func.func @transform_0(%arg0: i32) -> (i32, i32, i32) {
    %c0_i32 = arith.constant 0 : i32
    %c0_i32_0 = arith.constant 0 : i32
    %c0_i32_1 = arith.constant 0 : i32
    return %c0_i32, %arg0, %c0_i32_0 : i32, i32, i32
  }
  func.func @transform_1(%arg0: i32) -> (i32, i32) {
    %c0_i32 = arith.constant 0 : i32
    %c0_i32_0 = arith.constant 0 : i32
    return %arg0, %c0_i32 : i32, i32
  }
  func.func @transform_2(%arg0: i32) -> (i32, i32) {
    %c0_i32 = arith.constant 0 : i32
    %c0_i32_0 = arith.constant 0 : i32
    return %arg0, %c0_i32 : i32, i32
  }
  func.func @transform_3(%arg0: i32) -> (i32, i32) {
    %c0_i32 = arith.constant 0 : i32
    %c0_i32_0 = arith.constant 0 : i32
    %c0_i32_1 = arith.constant 0 : i32
    return %c0_i32, %c0_i32_0 : i32, i32
  }
  func.func @transform_4(%arg0: i32) -> (i32, i32) {
    %c0_i32 = arith.constant 0 : i32
    %c0_i32_0 = arith.constant 0 : i32
    return %arg0, %c0_i32 : i32, i32
  }
}

module attributes {stable_mosaic.version = 14 : i64} {
  func.func @body(%arg0: i32, %arg1: memref<2x2048x128xf32, #tpu.memory_space<vmem>>, %arg2: memref<2048x128xf32, #tpu.memory_space<vmem>>, %arg3: memref<2048x1xf32, #tpu.memory_space<vmem>>, %arg4: memref<1x128xf32, #tpu.memory_space<vmem>>, %arg5: memref<128x128xf32, #tpu.memory_space<vmem>>, %arg6: memref<2048x128xf32, #tpu.memory_space<vmem>>) attributes {dimension_semantics = [#tpu.dimension_semantics<arbitrary>], iteration_bounds = array<i64: 5>, scalar_prefetch = 0 : i64, scratch_operands = 0 : i64, tpu.core_type = #tpu.core_type<tc>, window_params = [{transform_indices = @transform_0, window_bounds = array<i64: 2, 2048, 128>}, {transform_indices = @transform_1, window_bounds = array<i64: 2048, 128>}, {transform_indices = @transform_2, window_bounds = array<i64: 2048, 1>}, {pipeline_mode = #tpu.pipeline_mode<synchronous>, transform_indices = @transform_3, window_bounds = array<i64: 1, 128>}, {pipeline_mode = #tpu.pipeline_mode<synchronous>, transform_indices = @transform_4, window_bounds = array<i64: 128, 128>}, {transform_indices = @transform_5, window_bounds = array<i64: 2048, 128>}]} {
    %get3A = arith.constant 0 : index
    %get3A_0 = arith.constant 0 : index
    %get3A_1 = arith.constant 0 : index
    %get3A_2 = vector.load %arg1[%get3A, %get3A_0, %get3A_1] : memref<2x2048x128xf32, #tpu.memory_space<vmem>>, vector<1x2048x128xf32>
    %get3A_3 = vector.shape_cast %get3A_2 : vector<1x2048x128xf32> to vector<2048x128xf32>
    %slice3A = vector.extract_strided_slice %get3A_3 {offsets = [0, 0], sizes = [2048, 64], strides = [1, 1]} : vector<2048x128xf32> to vector<2048x64xf32>
    %get3A_4 = arith.constant 1 : index
    %get3A_5 = arith.constant 0 : index
    %get3A_6 = arith.constant 0 : index
    %get3A_7 = vector.load %arg1[%get3A_4, %get3A_5, %get3A_6] : memref<2x2048x128xf32, #tpu.memory_space<vmem>>, vector<1x2048x128xf32>
    %get3A_8 = vector.shape_cast %get3A_7 : vector<1x2048x128xf32> to vector<2048x128xf32>
    %slice3A_9 = vector.extract_strided_slice %get3A_8 {offsets = [0, 0], sizes = [2048, 64], strides = [1, 1]} : vector<2048x128xf32> to vector<2048x64xf32>
    %concatenate3A = tpu.concatenate %slice3A, %slice3A_9 in 1 : vector<2048x64xf32>, vector<2048x64xf32> -> vector<2048x128xf32>
    %get3A_10 = arith.constant 0 : index
    %get3A_11 = arith.constant 0 : index
    %get3A_12 = vector.load %arg2[%get3A_10, %get3A_11] : memref<2048x128xf32, #tpu.memory_space<vmem>>, vector<2048x128xf32>
    %add3A = arith.addf %concatenate3A, %get3A_12 : vector<2048x128xf32>
    %get3A_13 = arith.constant 0 : index
    %get3A_14 = arith.constant 0 : index
    %get3A_15 = vector.load %arg3[%get3A_13, %get3A_14] : memref<2048x1xf32, #tpu.memory_space<vmem>>, vector<2048x1xf32>
    %mul3A = vector.broadcast %get3A_15 : vector<2048x1xf32> to vector<2048x128xf32>
    %mul3A_16 = arith.mulf %add3A, %mul3A : vector<2048x128xf32>
    %get3A_17 = arith.constant 0 : index
    %get3A_18 = arith.constant 0 : index
    %get3A_19 = vector.load %arg4[%get3A_17, %get3A_18] : memref<1x128xf32, #tpu.memory_space<vmem>>, vector<1x128xf32>
    %add3A_20 = vector.broadcast %get3A_19 : vector<1x128xf32> to vector<2048x128xf32>
    %add3A_21 = arith.addf %mul3A_16, %add3A_20 : vector<2048x128xf32>
    %max3A = arith.constant 0.000000e+00 : f32
    %max3A_22 = vector.broadcast %max3A : f32 to vector<2048x128xf32>
    %max3A_23 = arith.maximumf %add3A_21, %max3A_22 : vector<2048x128xf32>
    %get3A_24 = arith.constant 0 : index
    %get3A_25 = arith.constant 0 : index
    %get3A_26 = vector.load %arg5[%get3A_24, %get3A_25] : memref<128x128xf32, #tpu.memory_space<vmem>>, vector<128x128xf32>
    %dot_general3A = arith.constant dense<0.000000e+00> : vector<2048x128xf32>
    %dot_general3A_27 = tpu.matmul %max3A_23, %get3A_26, %dot_general3A {dimension_numbers = #tpu.dot_dimension_numbers<[1], [0], [0], [1], [0, 0, 1, 1], [], []>, precision = #tpu.contract_precision<fp32>, transpose_lhs_hint = false} : vector<2048x128xf32>, vector<128x128xf32>, vector<2048x128xf32> -> vector<2048x128xf32>
    %get3A_28 = arith.constant 0 : index
    %get3A_29 = arith.constant 0 : index
    %get3A_30 = vector.load %arg3[%get3A_28, %get3A_29] : memref<2048x1xf32, #tpu.memory_space<vmem>>, vector<2048x1xf32>
    %mul3A_31 = vector.broadcast %get3A_30 : vector<2048x1xf32> to vector<2048x128xf32>
    %mul3A_32 = arith.mulf %dot_general3A_27, %mul3A_31 : vector<2048x128xf32>
    %swap3A = arith.constant 0 : index
    %swap3A_33 = arith.constant 0 : index
    %swap3A_34 = vector.load %arg6[%swap3A, %swap3A_33] : memref<2048x128xf32, #tpu.memory_space<vmem>>, vector<2048x128xf32>
    tpu.vector_store %arg6[%swap3A, %swap3A_33], %mul3A_32 {strides = array<i32>} : memref<2048x128xf32, #tpu.memory_space<vmem>>, vector<2048x128xf32>,
    return
  }
  func.func @transform_0(%arg0: i32) -> (i32, i32, i32) {
    %c0_i32 = arith.constant 0 : i32
    %c0_i32_0 = arith.constant 0 : i32
    %c0_i32_1 = arith.constant 0 : i32
    return %c0_i32, %arg0, %c0_i32_0 : i32, i32, i32
  }
  func.func @transform_1(%arg0: i32) -> (i32, i32) {
    %c0_i32 = arith.constant 0 : i32
    %c0_i32_0 = arith.constant 0 : i32
    return %arg0, %c0_i32 : i32, i32
  }
  func.func @transform_2(%arg0: i32) -> (i32, i32) {
    %c0_i32 = arith.constant 0 : i32
    %c0_i32_0 = arith.constant 0 : i32
    return %arg0, %c0_i32 : i32, i32
  }
  func.func @transform_3(%arg0: i32) -> (i32, i32) {
    %c0_i32 = arith.constant 0 : i32
    %c0_i32_0 = arith.constant 0 : i32
    %c0_i32_1 = arith.constant 0 : i32
    return %c0_i32, %c0_i32_0 : i32, i32
  }
  func.func @transform_4(%arg0: i32) -> (i32, i32) {
    %c0_i32 = arith.constant 0 : i32
    %c0_i32_0 = arith.constant 0 : i32
    %c0_i32_1 = arith.constant 0 : i32
    return %c0_i32, %c0_i32_0 : i32, i32
  }
  func.func @transform_5(%arg0: i32) -> (i32, i32) {
    %c0_i32 = arith.constant 0 : i32
    %c0_i32_0 = arith.constant 0 : i32
    return %arg0, %c0_i32 : i32, i32
  }
}

</mosaic_0001>

<sc_bundles>
// kernel: kernel.11.cloned.1.call-start
scs
__scs_entry_jumppad:
0x0: {  	(pc) =	sbr.rel $0x88, $3  }
0x1: {  	(tag) =	ssettag $0x0;
	lr =	simm.s32 $0x1  }
0x2: {  	[smem:$0x3F9B] =	sst lr;
	_ =	strace $0xD0000000  }
0x3: {  	_ = 	snop  }
0x4: {  	_ = 	snop  }
0x5: {  	_ = 	snop  }
0x6: {  	_ = 	snop  }
0x7: {  	_ = 	snop  }
__scs_overlays_trampoline_lowered:
0x8: {  	[smem:$0x3FAA] =	sst s0  }
0x9: {  	[smem:$0x3FAB] =	sst s1  }
0xa: {  	[smem:$0x3FAC] =	sst s2  }
0xb: {  	[smem:$0x3FAD] =	sst s3  }
0xc: {  	[smem:$0x3FAE] =	sst s4  }
0xd: {  	[smem:$0x3FAF] =	sst s5  }
0xe: {  	[smem:$0x3FB0] =	sst s6  }
0xf: {  	[smem:$0x3FB1] =	sst s7  }
0x10: {  	[smem:$0x3FB2] =	sst s8  }
0x11: {  	[smem:$0x3FB3] =	sst s9;
	s0 =	simm.s32 @!p0 $0x0  }
0x12: {  	s1 =	sld [smem:$0x3F99];
	s0 =	simm.s32 @p0 $0x1  }
0x13: {  	[smem:$0x3FB4] =	sst s0;
	s0 =	simm.s32 @!p1 $0x0  }
0x14: {  	s2 =	sld [smem:$0x3F98];
	s0 =	simm.s32 @p1 $0x1  }
0x15: {  	[smem:$0x3FB5] =	sst s0;
	s0 =	simm.s32 @!p2 $0x0  }
0x16: {  	s3 =	sld [smem:$0x3FDB];
	s0 =	simm.s32 @p2 $0x1  }
0x17: {  	s4 =	simm.s32 $0x1BF5;
	[smem:$0x3FB7] =	sst s0  }
0x18: {  	s0 =	sld [smem:$0x3F9A];
	_ =	swait.ge [sflag:s4], $0x0  }
0x19: {  	s7 =	sld [smem:$0x3F9B]  }
0x1a: {  	s8 =	sadd.s32 $0xFFFFE003, lr  }
0x1b: {  	s9 =	sadd.s32 $0xFFFFFEF7, lr;
	s5 =	simm.s32 $0xFFFFFFFF;
	p2 =	slt.u32 s8, $0xFFFFF086  }
0x1c: {  	p1 =	slt.u32 s9, $0xF7A;
	s5 =	simm.s32 @!p2 $0x0  }
0x1d: {  	s5 =	simm.s32 @p1 $0x1;
	p0 =	seq.s32 s7, s2  }
0x1e: {  	s7 =	smul.u32 @!p0 $0xF7A, s2;
	p2 =	seq.s32 @!p0 s5, $0x0  }
0x1f: {  	s9 =	smul.u32 $0xF7A, s1;
	s8 =	simm.s32 @!p0 $0x1BF5;
	p2 =	por !p2, p0  }
0x20: {  	[sflag:s8] =	ssyncset.s32 @!p0 $0xFFFFF086;
	s6 =	sadd.s32 @!p0 s3, s7;
	s7 =	simm.s32 @!p0 $0x108  }
0x21: {  	s3 =	sadd.s32 s3, s9;
	s6 =	sadd.s32 @!p0 $0x88, s6;
	s7 =	simm.s32 @p2 $0x1082  }
0x22: {  	[simem:s7], [sflag:s8] =	dma.local @!p0 [hbm:s6], $0xF7A  }
0x23: {  	s9 =	sor.u32 $0xD0000000, s2;
	s6 =	simm.s32 $0x108;
	_ =	swait.ge @!p0 [sflag:s8], $0x0  }
0x24: {  	s3 =	sadd.s32 $0x88, s3;
	s6 =	simm.s32 @!p1 $0x1082;
	[sflag:s4] =	ssyncset.s32 $0xFFFFF086  }
0x25: {  	[simem:s6], [sflag:s4] =	dma.local [hbm:s3], $0xF7A  }
0x26: {  	[smem:$0x3F9B] =	sst s1;
	(tag) =	ssettag s2;
	_ =	strace s9  }
0x27: {  	s1 =	sld [smem:$0x3FAB]  }
0x28: {  	s2 =	sld [smem:$0x3FAC]  }
0x29: {  	s4 =	sld [smem:$0x3FAE]  }
0x2a: {  	p0 =	seq.s32 s5, $0x0;
	s5 =	sld [smem:$0x3FAF]  }
0x2b: {  	s6 =	sld [smem:$0x3FB0]  }
0x2c: {  	s7 =	sld [smem:$0x3FB1]  }
0x2d: {  	s3 =	simm.s32 $0x108;
	s8 =	sld [smem:$0x3FB2]  }
0x2e: {  	s3 =	simm.s32 @!p0 $0x1082;
	s9 =	sld [smem:$0x3FB3]  }
0x2f: {  	lr =	sadd.s32 s0, s3;
	s0 =	sld [smem:$0x3FAA]  }
0x30: {  	s3 =	sld [smem:$0x3FAD]  }
0x31: {  	[smem:$0x3FB6] =	sst s10  }
0x32: {  	s10 =	sld [smem:$0x3FB4];
	_ =	sdelay $0x3  }
0x33: {  	p0 =	seq.s32 s10, $0x1;
	s10 =	sld [smem:$0x3FB6];
	_ =	sdelay $0x3  }
0x34: {  	[smem:$0x3FB6] =	sst s10  }
0x35: {  	s10 =	sld [smem:$0x3FB5];
	_ =	sdelay $0x3  }
0x36: {  	p1 =	seq.s32 s10, $0x1;
	s10 =	sld [smem:$0x3FB6];
	_ =	sdelay $0x3  }
0x37: {  	[smem:$0x3FB6] =	sst s10  }
0x38: {  	s10 =	sld [smem:$0x3FB7]  }
0x39: {  	_ = 	snop;
	(pc) =	sbr.ind lr, $3  }
0x3a: {  	_ = 	snop  }
0x3b: {  	_ = 	snop  }
0x3c: {  	p2 =	seq.s32 s10, $0x1;
	s10 =	sld [smem:$0x3FB6]  }
0x3d: {  	_ =	shalt  }
0x3e: {  	_ =	shalt  }
0x3f: {  	_ =	shalt  }
0x40: {  	_ =	shalt  }
0x41: {  	_ =	shalt  }
0x42: {  	_ =	shalt  }
0x43: {  	_ =	shalt  }
0x44: {  	_ =	shalt  }
0x45: {  	_ =	shalt  }
0x46: {  	_ =	shalt  }
0x47: {  	_ =	shalt  }
0x48: {  	_ =	shalt  }
0x49: {  	_ =	shalt  }
0x4a: {  	_ =	shalt  }
0x4b: {  	_ =	shalt  }
0x4c: {  	_ =	shalt  }
0x4d: {  	_ =	shalt  }
0x4e: {  	_ =	shalt  }
0x4f: {  	_ =	shalt  }
0x50: {  	_ =	shalt  }
0x51: {  	_ =	shalt  }
0x52: {  	_ =	shalt  }
0x53: {  	_ =	shalt  }
0x54: {  	_ =	shalt  }
0x55: {  	_ =	shalt  }
0x56: {  	_ =	shalt  }
0x57: {  	_ =	shalt  }
0x58: {  	_ =	shalt  }
0x59: {  	_ =	shalt  }
0x5a: {  	_ =	shalt  }
0x5b: {  	_ =	shalt  }
0x5c: {  	_ =	shalt  }
0x5d: {  	_ =	shalt  }
0x5e: {  	_ =	shalt  }
0x5f: {  	_ =	shalt  }
0x60: {  	_ =	shalt  }
0x61: {  	_ =	shalt  }
0x62: {  	_ =	shalt  }
0x63: {  	_ =	shalt  }
0x64: {  	_ =	shalt  }
0x65: {  	_ =	shalt  }
0x66: {  	_ =	shalt  }
0x67: {  	_ =	shalt  }
0x68: {  	_ =	shalt  }
0x69: {  	_ =	shalt  }
0x6a: {  	_ =	shalt  }
0x6b: {  	_ =	shalt  }
0x6c: {  	_ =	shalt  }
0x6d: {  	_ =	shalt  }
0x6e: {  	_ =	shalt  }
0x6f: {  	_ =	shalt  }
0x70: {  	_ =	shalt  }
0x71: {  	_ =	shalt  }
0x72: {  	_ =	shalt  }
0x73: {  	_ =	shalt  }
0x74: {  	_ =	shalt  }
0x75: {  	_ =	shalt  }
0x76: {  	_ =	shalt  }
0x77: {  	_ =	shalt  }
0x78: {  	_ =	shalt  }
0x79: {  	_ =	shalt  }
0x7a: {  	_ =	shalt  }
0x7b: {  	_ =	shalt  }
0x7c: {  	_ =	shalt  }
0x7d: {  	_ =	shalt  }
0x7e: {  	_ =	shalt  }
0x7f: {  	_ =	shalt  }
0x80: {  	_ =	shalt  }
0x81: {  	_ =	shalt  }
0x82: {  	_ =	shalt  }
0x83: {  	_ =	shalt  }
0x84: {  	_ =	shalt  }
0x85: {  	_ =	shalt  }
0x86: {  	_ =	shalt  }
0x87: {  	_ =	shalt  }
.Lfunc_end0:
.L_simem_size_0:
called_computation.1_lowered:
.L_overlay_start_0:
0x88: {  	s2 =	sld [smem:$0x3FD9]  }
0x89: {  	s3 =	sld [smem:$0x3FFE];
	_ =	sdelay $0x1  }
0x8a: {  	s1 =	srdreg.scid  }
0x8b: {  	s0 =	sand.u32 $0x1, s1  }
0x8c: {  	s17 =	sshll.u32 s0, $0xA;
	s2 =	sadd.s32 s3, s2  }
0x8d: {  	s2 =	sadd.s32 s2, s17  }
0x8e: {  	[smem:$0x3FC2] =	sst s2  }
0x8f: {  	_ = 	snop  }
0x90: {  	s2 =	sld [smem:$0x3FD0];
	(tm) =	ssettm $0x1  }
0x91: {  	s18 =	sld [smem:$0x3FFB];
	_ =	sdelay $0x3  }
0x92: {  	_ =	strace s18  }
0x93: {  	s3 =	sld [smem:$0x3FFC];
	_ =	sdelay $0x3  }
0x94: {  	_ =	strace s3  }
0x95: {  	s3 =	sld [smem:$0x3FFD];
	_ =	sdelay $0x3  }
0x96: {  	_ =	strace s3  }
0x97: {  	_ =	strace $0x8FFFFFFF  }
0x98: {  	s19 =	sld [smem:$0x3FDB];
	_ =	sdelay $0x1  }
0x99: {  	s4 =	simm.s32 $_scs_section_size  }
0x9a: {  	s5 =	simm.s32 $_size__tile_overlayer_lowered;
	s6 =	simm.s32 $_tile_overlayer_lowered  }
0x9b: {  	s22 =	simm.s32 $0x1BFF;
	s21 =	sshll.u32 s6, $0x1;
	s3 =	sadd.s32 s4, s19  }
0x9c: {  	s7 =	simm.s32 $0x0;
	s20 =	sshll.u32 s5, $0x1;
	s5 =	sadd.s32 s21, s3  }
0x9d: {  	[timem:s7], [sflag:s22] =	dma.local [hbm:s5], s20  }
0x9e: {  	_ =	swait.ge [sflag:s22], s20  }
0x9f: {  	s4 =	ssub.s32 $0x0, s20;
	[sflag:s22] =	ssyncset.done $0x0  }
0xa0: {  	[sflag:s22] =	ssyncadd.s32 s4;
	_ =	sdelay $0x1  }
0xa1: {  	s23 =	simm.s32 $0x1B8B  }
0xa2: {  	_ =	swait.ge [sflag:s23], $0x1  }
0xa3: {  	[sflag:s23] =	ssyncset.done $0x0  }
0xa4: {  	s25 =	simm.s32 $0x1B8E;
	s24 =	sld [smem:$0x3FFE];
	[sflag:s23] =	ssyncadd.s32 $0xFFFFFFFF  }
0xa5: {  	s26 =	simm.s32 $execute0_lowered;
	[smem:$0x3FD2] =	sst s25  }
0xa6: {  	s5 =	sshll.u32 s26, $0x1;
	_ =	strace $0x80000049;
	[dreg:$0x1] =	wrdreg $0xFFFFFFFF  }
0xa7: {  	s28 =	simm.s32 $_size_execute0_lowered;
	s3 =	sadd.s32 s3, s5;
	[dreg:$0x0] =	wrdreg $0x0  }
0xa8: {  	s5 =	sshll.u32 s28, $0x1;
	[dreg:$0x2] =	wrdreg s3  }
0xa9: {  	[dreg:$0x3] =	wrdreg s5  }
0xaa: {  	[dreg:$0x4] =	wrdreg $0xC0  }
0xab: {  	_ =	task [dreg:s7], $0x5FFFF  }
0xac: {  	[dreg:$0x1] =	wrdreg $0xFFFFFFFF  }
0xad: {  	[dreg:$0x0] =	wrdreg $0x60  }
0xae: {  	[dreg:$0x2] =	wrdreg s2  }
0xaf: {  	[dreg:$0x3] =	wrdreg s24  }
0xb0: {  	[dreg:$0x4] =	wrdreg $0x15D000  }
0xb1: {  	[dreg:$0x5] =	wrdreg $0x9  }
0xb2: {  	_ =	task.clear_ibuf [dreg:s7], $0x6FFFF;
	_ =	strace $0x90000049  }
0xb3: {  	s29 =	simm.s32 $0x9;
	_ =	strace $0x8000004B  }
0xb4: {  	_ =	swait.ge [sflag:s29], $0x1  }
0xb5: {  	[sflag:s29] =	ssyncadd.s32 $0xFFFFFFFF  }
0xb6: {  	_ =	strace $0x9000004B  }
0xb7: {  	_ =	sfence  }
0xb8: {  	s30 =	sld [smem:$0x0];
	_ =	sdelay $0x2  }
0xb9: {  	s31 =	sshll.u32 s1, $0xD;
	s1 =	sshrl.u32 s1, $0x2  }
0xba: {  	s3 =	sand.u32 $0x4000, s31;
	s1 =	sadd.s32 s1, s30  }
0xbb: {  	s0 =	sor.u32 s3, s0;
	s1 =	sshll.u32 s1, $0x11  }
0xbc: {  	s0 =	sor.u32 s1, s0  }
0xbd: {  	s0 =	sadd.s32 $0x8F2B, s0  }
0xbe: {  	[sflag:s0] =	ssyncadd.remote.s32 $0x1  }
0xbf: {  	_ =	sfence.sel $0xFFFF  }
0xc0: {  	[dreg:$0x0] =	wrdreg $0xFFFFFFFF;
	(pc) =	sbr.abs _section_cstart, $3  }
0xc1: {  	[dreg:$0x1] =	wrdreg $0xFFFFFFFF  }
0xc2: {  	_ =	task.clear_ibuf [dreg:s7], $0x2FFFF;
	_ =	strace $0x9FFFFFFF  }
0xc3: {  	(tm) =	ssettm $0x7FFFFFFF  }
tec
execute0_lowered:
.L_overlay_start_1:
0x0: {  	(tag) =	ssettag $0x1  }
0x1: {  	s1 =	rddreg [dreg:$0x0];
	s0 =	srdreg.scid  }
0x2: {  	s10 =	stileid.u32;
	s2 =	rddreg [dreg:$0x1]  }
0x3: {  	s3 =	rddreg [dreg:$0x2];
	s5 =	smul.u32 $0x4E80, s10  }
0x4: {  	s4 =	simm.s32 $0x0;
	s28 =	simm.s32 $0x10;
	s9 =	smul.u32 $0x28000, s10  }
0x5: {  	s29 =	simm.s32 $0x8;
	s30 =	simm.s32 $0x3;
	s26 =	smul.u32 $0x280, s10  }
0x6: {  	s31 =	simm.s32 $0x0;
	s0 =	sand.u32 $0x1, s0;
	s13 =	smul.u32 $0x14000, s10  }
0x7: {  	[smem:$0x7FF] =	sst s4;
	s6 =	smul.u32 $0x4E800, s0;
	s7 =	ssub.s32 $0x2, s0  }
0x8: {  	_ =	strace $0x8000004A;
	s0 =	smul.u32 $0x140000, s0;
	s8 =	sshrl.u32 s7, $0x1  }
0x9: {  	s25 =	sshrl.u32 s9, $0x2;
	s14 =	sadd.s32 $0x80, s26;
	s19 =	sadd.s32 $0x100, s26  }
0xa: {  	s22 =	sadd.s32 $0x180, s26;
	s6 =	sadd.s32 s5, s6;
	s5 =	sshrl.u32 s5, $0x3  }
0xb: {  	s8 =	ssub.s32 s7, s8;
	s7 =	sadd.s32 s25, s3;
	s17 =	sshll.u32 s14, $0x7  }
0xc: {  	s21 =	sshll.u32 s19, $0x7;
	s10 =	sshll.u32 s19, $0x6;
	s25 =	sshll.u32 s22, $0x6  }
0xd: {  	s19 =	simm.s32 $0x9D00;
	s6 =	sshrl.u32 s6, $0x3;
	s5 =	sadd.s32 s5, s2  }
0xe: {  	s11 =	smax.u32 s8, $0x1;
	s12 =	sadd.s32 $0x2000, s7;
	s15 =	sadd.s32 $0x4000, s7  }
0xf: {  	s16 =	sadd.s32 $0x6000, s7;
	s18 =	sadd.s32 $0x8000, s7;
	[dreg:$0x6] =	wrdreg s11  }
0x10: {  	s9 =	sadd.s32 s0, s17;
	s8 =	sshll.u32 s14, $0x6;
	[dreg:$0x7] =	wrdreg s12  }
0x11: {  	s10 =	sadd.s32 s10, s3;
	s6 =	sadd.s32 s6, s2;
	[dreg:$0x8] =	wrdreg s15  }
0x12: {  	s2 =	sadd.s32 $0x21400, s2;
	s5 =	sadd.s32 $0x3200, s5;
	[dreg:$0x9] =	wrdreg s16  }
0x13: {  	[dreg:$0xa] =	wrdreg s18;
	s9 =	sshrl.u32 s9, $0x3;
	s8 =	sadd.s32 s8, s3  }
0x14: {  	s11 =	sshll.u32 s22, $0x7;
	s6 =	sadd.s32 $0xDA00, s6;
	[dreg:$0x5] =	wrdreg s5  }
0x15: {  	s5 =	sadd.s32 s0, s13;
	s20 =	sadd.s32 s2, s9;
	s23 =	sadd.s32 s0, s11  }
0x16: {  	s22 =	sshrl.u32 s8, $0x3;
	[dreg:$0x4] =	wrdreg s6;
	s5 =	sshrl.u32 s5, $0x3  }
0x17: {  	[dreg:$0xc] =	wrdreg s20;
	s6 =	sadd.s32 $0x200, s26;
	s5 =	sadd.s32 s2, s5  }
0x18: {  	s20 =	simm.s32 $0x2;
	[dreg:$0xb] =	wrdreg s5;
	s5 =	sadd.s32 s0, s21  }
0x19: {  	s24 =	sshll.u32 s6, $0x7;
	s6 =	sshll.u32 s6, $0x6;
	s5 =	sshrl.u32 s5, $0x3  }
0x1a: {  	s0 =	sadd.s32 s0, s24;
	s26 =	sadd.s32 s6, s3;
	s5 =	sadd.s32 s2, s5  }
0x1b: {  	s0 =	sshrl.u32 s0, $0x3;
	[dreg:$0xd] =	wrdreg s5;
	s5 =	sshrl.u32 s23, $0x3  }
0x1c: {  	s21 =	simm.s32 $0x80;
	s17 =	sadd.s32 s2, s0;
	s5 =	sadd.s32 s2, s5  }
0x1d: {  	s23 =	sshrl.u32 s10, $0x3;
	[dreg:$0xe] =	wrdreg s5;
	s5 =	sadd.s32 s25, s3  }
0x1e: {  	v0 =	vimm.f32 $0.0e+00;
	s25 =	sshrl.u32 s26, $0x3;
	s26 =	simm.s32 $0x1;
	s24 =	sshrl.u32 s5, $0x3  }
.LBB2_1:
0x1f: {  	s0 =	rddreg [dreg:$0x4]  }
0x20: {  	[tilespmem:s4], [sflag:$0x3] =	stream.linear.gather [hbm4b:s0+s4], $0x4E80, $0x38;
	[tilespmem:$0x1FD00] =	vst v63  }
0x21: {  	s18 =	rddreg [dreg:$0x5];
	s2 =	simm.s32 $0x4E80  }
0x22: {  	[tilespmem:s2], [sflag:$0x3] =	stream.linear.gather [hbm4b:s18+s4], $0x4E80, $0x38;
	[tilespmem:$0x1FD00] =	vst v63  }
0x23: {  	s0 =	simm.s32 $0x0;
	s2 =	simm.s32 $0x100  }
.LBB2_2:
0x24: {  	p0 =	sne.s32 s2, $0x7F00;
	[tilespmem:s0+$0x9D30] =	vst v0;
	s5 =	smov.u32 s2;
	s2 =	sadd.s32 $0x100, s2  }
.Ltmp0:
0x25: {  	[tilespmem:s0+$0x9D20] =	vst v0;
	(pc) =	sbr.rel @p0 .LBB2_2-.Ltmp0, $3  }
0x26: {  	[tilespmem:s0+$0x9D00] =	vst v0  }
0x27: {  	[tilespmem:s0+$0x9D10] =	vst v0;
	_ =	sdelay $0x1  }
0x28: {  	s0 =	sshra.s32 s5, $0x2  }
0x29: {  	[tilespmem:s0+$0x9D30] =	vst v0  }
0x2a: {  	[tilespmem:s0+$0x9D20] =	vst v0  }
0x2b: {  	[tilespmem:s0+$0x9D00] =	vst v0  }
0x2c: {  	[tilespmem:s0+$0x9D10] =	vst v0  }
0x2d: {  	[spmem:s7] =	stream.linear.scatter [tilespmem:s19], [sflag:$0x2], $0x2000, $0x38;
	[tilespmem:$0x1FD00] =	vst v63  }
0x2e: {  	s8 =	rddreg [dreg:$0x7]  }
0x2f: {  	[spmem:s8] =	stream.linear.scatter [tilespmem:s19], [sflag:$0x2], $0x2000, $0x38;
	[tilespmem:$0x1FD00] =	vst v63  }
0x30: {  	s9 =	rddreg [dreg:$0x8]  }
0x31: {  	[spmem:s9] =	stream.linear.scatter [tilespmem:s19], [sflag:$0x2], $0x2000, $0x38;
	[tilespmem:$0x1FD00] =	vst v63  }
0x32: {  	s10 =	rddreg [dreg:$0x9]  }
0x33: {  	[spmem:s10] =	stream.linear.scatter [tilespmem:s19], [sflag:$0x2], $0x2000, $0x38;
	[tilespmem:$0x1FD00] =	vst v63  }
0x34: {  	s11 =	rddreg [dreg:$0xa]  }
0x35: {  	[spmem:s11] =	stream.linear.scatter [tilespmem:s19], [sflag:$0x2], $0x2000, $0x38;
	[tilespmem:$0x1FD00] =	vst v63  }
0x36: {  	_ =	swait.ge [sflag:s20], $0x2000  }
0x37: {  	[sflag:s20] =	ssyncset.done $0x0  }
0x38: {  	[sflag:s20] =	ssyncadd.s32 $0xFFFFE000  }
0x39: {  	_ =	swait.ge [sflag:s20], $0x2000  }
0x3a: {  	[sflag:s20] =	ssyncset.done $0x0  }
0x3b: {  	[sflag:s20] =	ssyncadd.s32 $0xFFFFE000  }
0x3c: {  	_ =	swait.ge [sflag:s20], $0x2000  }
0x3d: {  	[sflag:s20] =	ssyncset.done $0x0  }
0x3e: {  	[sflag:s20] =	ssyncadd.s32 $0xFFFFE000  }
0x3f: {  	_ =	swait.ge [sflag:s20], $0x2000  }
0x40: {  	[sflag:s20] =	ssyncset.done $0x0  }
0x41: {  	[sflag:s20] =	ssyncadd.s32 $0xFFFFE000  }
0x42: {  	_ =	swait.ge [sflag:s20], $0x2000  }
0x43: {  	[sflag:s20] =	ssyncset.done $0x0  }
0x44: {  	s0 =	simm.s32 $0x3;
	[sflag:s20] =	ssyncadd.s32 $0xFFFFE000  }
0x45: {  	_ =	swait.ge [sflag:s0], $0x4E80  }
0x46: {  	[sflag:s0] =	ssyncset.done $0x0  }
0x47: {  	[sflag:s0] =	ssyncadd.s32 $0xFFFFB180  }
0x48: {  	_ =	swait.ge [sflag:s0], $0x4E80  }
0x49: {  	[sflag:s0] =	ssyncset.done $0x0  }
0x4a: {  	p1 =	por $0x1, $0x1;
	[sflag:s0] =	ssyncadd.s32 $0xFFFFB180  }
0x4b: {  	p0 =	por @!p1 $0x0, $0x0;
	[bflag:$0x0] =	sbarrier.arrive $0xFFFF  }
0x4c: {  	[tilespmem:s19], [sflag:$0x1] =	stream.indirect.gather [hbm4b:s1+s21], $0x40, s4, s21, $0xb8;
	[tilespmem:$0x1FD00] =	vst v63  }
0x4d: {  	s2 =	simm.s32 $0xBD00;
	s12 =	simm.s32 $0x100;
	p0 =	por p0, p1  }
0x4e: {  	[tilespmem:s2], [sflag:$0x1] =	stream.indirect.gather [hbm4b:s1+s21], $0x40, s21, s21, $0xb8;
	[tilespmem:$0x1FD00] =	vst v63  }
0x4f: {  	s5 =	simm.s32 $0xDD00;
	s18 =	simm.s32 $0x0;
	s0 =	smul.u32 @!p0 $0xAB, s0  }
0x50: {  	[tilespmem:s5], [sflag:$0x1] =	stream.indirect.gather [hbm4b:s1+s21], $0x40, s12, s21, $0xb8;
	[tilespmem:$0x1FD00] =	vst v63  }
0x51: {  	s13 =	simm.s32 $0xFD00;
	s2 =	simm.s32 $0x180;
	s5 =	smul.u32 $0xAB, s18  }
0x52: {  	[tilespmem:s13], [sflag:$0x1] =	stream.indirect.gather [hbm4b:s1+s21], $0x40, s2, s21, $0xb8;
	[tilespmem:$0x1FD00] =	vst v63  }
0x53: {  	s14 =	simm.s32 $0x200;
	s5 =	sshrl.u32 s5, $0xA  }
0x54: {  	s6 =	simm.s32 $0x11D00;
	s0 =	sshrl.u32 @!p0 s0, $0xA;
	s5 =	sand.u32 $0x3F, s5  }
0x55: {  	[tilespmem:s6], [sflag:$0x1] =	stream.indirect.gather [hbm4b:s1+s21], $0x40, s14, s21, $0xb8;
	[tilespmem:$0x1FD00] =	vst v63  }
0x56: {  	s15 =	simm.s32 $0x280;
	s0 =	sand.u32 @!p0 $0x3F, s0;
	s5 =	smul.u32 $0x6, s5  }
0x57: {  	s16 =	simm.s32 $0x13D00;
	p1 =	por p1, p1;
	s6 =	smul.u32 @!p0 $0x6, s0  }
0x58: {  	[tilespmem:s16], [sflag:$0x1] =	stream.indirect.gather [hbm4b:s1+s21], $0x40, s15, s21, $0xb8;
	[tilespmem:$0x1FD00] =	vst v63  }
0x59: {  	s8 =	simm.s32 $0x5;
	s11 =	simm.s32 $0x4E80;
	s5 =	ssub.s32 $0x0, s5  }
0x5a: {  	s18 =	simm.s32 $0x4E80;
	s6 =	ssub.s32 @!p0 $0x3, s6;
	s5 =	sand.u32 $0xFF, s5  }
0x5b: {  	s0 =	simm.s32 $0x4;
	s6 =	sand.u32 @!p0 $0xFF, s6;
	s10 =	sshll.u32 s5, $0xD  }
0x5c: {  	s5 =	simm.s32 $0x1;
	s9 =	sshll.u32 @!p0 s6, $0xD;
	s6 =	simm.s32 $0x180  }
.LBB2_4:
0x5d: {  	s2 =	sadd.s32 $0x80, s2;
	s18 =	sadd.s32 $0x80, s18  }
0x5e: {  	s12 =	smov.u32 s8;
	s8 =	sadd.s32 $0x1, s8;
	p3 =	por p0, p0  }
0x5f: {  	p2 =	slt.u32 s5, $0x3;
	_ =	swait.ge [sflag:s26], $0x2000;
	s13 =	simm.s32 @!p3 $0x80  }
0x60: {  	s14 =	smul.u32 $0xAB, s5;
	p0 =	sgt.u32 @!p2 s5, $0x99;
	[sflag:s26] =	ssyncset.done $0x0  }
0x61: {  	s15 =	simm.s32 @!p1 $0x2;
	p0 =	por p0, p2;
	[sflag:s26] =	ssyncadd.s32 $0xFFFFE000  }
0x62: {  	s10 =	sadd.s32 $0x9D00, s10;
	s14 =	sshrl.u32 s14, $0xA;
	s16 =	smul.u32 @!p0 $0xAB, s0  }
0x63: {  	[spmem:s3] =	stream.indirect.scatter.add.f32 [tilespmem:s10], [sflag:$0x2], $0x40, s11, s21, $0xb8;
	[tilespmem:$0x1FD00] =	vst v63  }
0x64: {  	s10 =	sand.u32 $0x3F, s14;
	s11 =	sshrl.u32 @!p0 s16, $0xA;
	_ =	swait.ge @!p1 [sflag:s15], $0x2000  }
0x65: {  	s10 =	smul.u32 $0x6, s10;
	s11 =	sand.u32 @!p0 $0x3F, s11;
	[sflag:s15] =	ssyncset.done @!p1 $0x0  }
0x66: {  	s9 =	sadd.s32 @!p3 $0x9D00, s9;
	s11 =	smul.u32 @!p0 $0x6, s11;
	[sflag:s15] =	ssyncadd.s32 @!p1 $0xFFFFE000  }
0x67: {  	[tilespmem:s9], [sflag:$0x1] =	stream.indirect.gather @!p3 [hbm4b:s1+s13], $0x40, s6, s13, $0xb8;
	[tilespmem:$0x1FD00] =	vst v63  }
0x68: {  	p3 =	sne.s32 s8, $0xA0  }
.Ltmp1:
0x69: {  	_ = 	snop;
	(pc) =	sbr.rel @p3 .LBB2_4-.Ltmp1, $4  }
0x6a: {  	s5 =	ssub.s32 s5, s10;
	s6 =	smov.u32 s2  }
0x6b: {  	s5 =	sand.u32 $0xFF, s5;
	s9 =	ssub.s32 @!p0 s0, s11;
	s0 =	smov.u32 s12  }
0x6c: {  	s11 =	smov.u32 s18;
	s10 =	sshll.u32 s5, $0xD;
	s9 =	sand.u32 @!p0 $0xFF, s9  }
0x6d: {  	p1 =	por p2, p2;
	s5 =	sadd.s32 $0xFFFFFFFD, s0;
	s9 =	sshll.u32 @!p0 s9, $0xD  }
0x6e: {  	_ =	swait.ge [sflag:s26], $0x2000  }
0x6f: {  	[sflag:s26] =	ssyncset.done $0x0  }
0x70: {  	s8 =	sadd.s32 $0x9D00, s10;
	[sflag:s26] =	ssyncadd.s32 $0xFFFFE000  }
0x71: {  	[spmem:s3] =	stream.indirect.scatter.add.f32 [tilespmem:s8], [sflag:$0x2], $0x40, s11, s21, $0xb8;
	[tilespmem:$0x1FD00] =	vst v63  }
0x72: {  	s11 =	smul.u32 $0xAB, s5  }
0x73: {  	s10 =	simm.s32 @!p1 $0x2  }
0x74: {  	p0 =	por p0, p0;
	_ =	swait.ge @!p1 [sflag:s10], $0x2000;
	s8 =	sshrl.u32 s11, $0xA  }
0x75: {  	s9 =	sadd.s32 @!p0 $0x9D00, s9;
	[sflag:s10] =	ssyncset.done @!p1 $0x0;
	s8 =	sand.u32 $0x3F, s8  }
0x76: {  	[sflag:s10] =	ssyncadd.s32 @!p1 $0xFFFFE000;
	s10 =	simm.s32 @!p0 $0x80;
	s8 =	smul.u32 $0x6, s8  }
0x77: {  	[tilespmem:s9], [sflag:$0x1] =	stream.indirect.gather @!p0 [hbm4b:s1+s10], $0x40, s6, s10, $0xb8;
	[tilespmem:$0x1FD00] =	vst v63  }
0x78: {  	s12 =	sadd.s32 $0x80, s18;
	p1 =	slt.u32 s5, $0x3;
	s8 =	ssub.s32 s5, s8  }
0x79: {  	p0 =	sgt.u32 @!p1 s5, $0x99;
	_ =	swait.ge [sflag:s26], $0x2000;
	s13 =	sand.u32 $0xFF, s8  }
0x7a: {  	p0 =	por p0, p1;
	[sflag:s26] =	ssyncset.done $0x0;
	s5 =	sshll.u32 s13, $0xD  }
0x7b: {  	s8 =	smul.u32 @!p0 $0xAB, s0;
	[sflag:s26] =	ssyncadd.s32 $0xFFFFE000;
	s5 =	sadd.s32 $0x9D00, s5  }
0x7c: {  	[spmem:s3] =	stream.indirect.scatter.add.f32 [tilespmem:s5], [sflag:$0x2], $0x40, s12, s21, $0xb8;
	[tilespmem:$0x1FD00] =	vst v63  }
0x7d: {  	s5 =	sshrl.u32 @!p0 s8, $0xA  }
0x7e: {  	s5 =	sand.u32 @!p0 $0x3F, s5  }
0x7f: {  	s5 =	smul.u32 @!p0 $0x6, s5  }
0x80: {  	p1 =	por p1, p1  }
0x81: {  	s0 =	ssub.s32 @!p0 s0, s5;
	s5 =	simm.s32 @!p1 $0x2  }
0x82: {  	s2 =	sadd.s32 $0x80, s2;
	s0 =	sand.u32 @!p0 $0xFF, s0;
	_ =	swait.ge @!p1 [sflag:s5], $0x2000  }
0x83: {  	s0 =	sshll.u32 @!p0 s0, $0xD;
	p0 =	por p0, p0;
	[sflag:s5] =	ssyncset.done @!p1 $0x0  }
0x84: {  	[sflag:s5] =	ssyncadd.s32 @!p1 $0xFFFFE000;
	s5 =	simm.s32 @!p0 $0x80;
	s0 =	sadd.s32 @!p0 $0x9D00, s0  }
0x85: {  	[tilespmem:s0], [sflag:$0x1] =	stream.indirect.gather @!p0 [hbm4b:s1+s5], $0x40, s2, s5, $0xb8;
	[tilespmem:$0x1FD00] =	vst v63  }
0x86: {  	_ =	swait.ge [sflag:s20], $0x2000  }
0x87: {  	[sflag:s20] =	ssyncset.done $0x0  }
0x88: {  	[sflag:s20] =	ssyncadd.s32 $0xFFFFE000  }
0x89: {  	_ =	swait.ge [sflag:s20], $0x2000  }
0x8a: {  	[sflag:s20] =	ssyncset.done $0x0  }
0x8b: {  	[sflag:s20] =	ssyncadd.s32 $0xFFFFE000  }
0x8c: {  	_ =	swait.ge [sflag:s20], $0x2000  }
0x8d: {  	[sflag:s20] =	ssyncset.done $0x0  }
0x8e: {  	s14 =	stileid.u32;
	[sflag:s20] =	ssyncadd.s32 $0xFFFFE000  }
0x8f: {  	s0 =	sshll.u32 s14, $0x6;
	[bflag:$0x0] =	sbarrier.arrive $0xFFFF  }
0x90: {  	s15 =	sshrl.u32 s7, $0x3;
	s0 =	sor.u32 $0x1C03, s0;
	s16 =	rddreg [dreg:$0xb]  }
0x91: {  	[hbm:s16@s28], [sflag:s0] =	dma.strided [spmem:s15@s29], $0x400, s26, $0x8   }
0x92: {  	s2 =	rddreg [dreg:$0xc]  }
0x93: {  	[hbm:s2@s28], [sflag:s0] =	dma.strided [spmem:s22@s29], $0x400, s26, $0x8   }
0x94: {  	s2 =	rddreg [dreg:$0xd]  }
0x95: {  	[hbm:s2@s28], [sflag:s0] =	dma.strided [spmem:s23@s29], $0x400, s26, $0x8   }
0x96: {  	s2 =	rddreg [dreg:$0xe]  }
0x97: {  	[hbm:s2@s28], [sflag:s0] =	dma.strided [spmem:s24@s29], $0x400, s26, $0x8   }
0x98: {  	[hbm:s17@s28], [sflag:s0] =	dma.strided [spmem:s25@s29], $0x400, s26, $0x8   }
0x99: {  	_ =	swait.ge [sflag:s30], $0x400  }
0x9a: {  	[sflag:s30] =	ssyncset.done $0x0  }
0x9b: {  	[sflag:s30] =	ssyncadd.s32 $0xFFFFFC00  }
0x9c: {  	_ =	swait.ge [sflag:s30], $0x400  }
0x9d: {  	[sflag:s30] =	ssyncset.done $0x0  }
0x9e: {  	[sflag:s30] =	ssyncadd.s32 $0xFFFFFC00  }
0x9f: {  	_ =	swait.ge [sflag:s30], $0x400  }
0xa0: {  	[sflag:s30] =	ssyncset.done $0x0  }
0xa1: {  	[sflag:s30] =	ssyncadd.s32 $0xFFFFFC00  }
0xa2: {  	_ =	swait.ge [sflag:s30], $0x400  }
0xa3: {  	[sflag:s30] =	ssyncset.done $0x0  }
0xa4: {  	[sflag:s30] =	ssyncadd.s32 $0xFFFFFC00  }
0xa5: {  	_ =	swait.ge [sflag:s30], $0x400  }
0xa6: {  	s31 =	sadd.s32 $0x1, s31;
	s18 =	rddreg [dreg:$0x6]  }
0xa7: {  	p0 =	sne.s32 s31, s18  }
.Ltmp2:
0xa8: {  	_ = 	snop;
	(pc) =	sbr.rel @p0 .LBB2_1-.Ltmp2, $3  }
0xa9: {  	_ =	sdelay $0x1  }
0xaa: {  	[sflag:s30] =	ssyncset.done $0x0  }
0xab: {  	[sflag:s30] =	ssyncadd.s32 $0xFFFFFC00  }
0xac: {  	_ =	sfence.sel $0x180000  }
0xad: {  	[bflag:$0x0] =	sbarrier.arrive $0xFFFF  }
0xae: {  	_ =	strace $0x9000004A  }
0xaf: {  	s0 =	stileid.u32;
	[bflag:$0x2] =	sbarrier.arrive $0xFFFF  }
0xb0: {  	p0 =	sne.s32 s0, $0x0;
	s0 =	rddreg [dreg:$0x3]  }
0xb1: {  	s0 =	sadd.s32 @!p0 $0x100000, s0  }
0xb2: {  	[sflag:s0] =	ssyncadd.tile.s32 @!p0 $0x1;
	_ =	shalt  }
.Lfunc_end2:
_tile_overlayer_lowered:
.L_overlay_start_2:
0xb3: {  	(tag) =	ssettag $0x2  }
0xb4: {  	s0 =	rddreg [dreg:$0x0];
	s2 =	stileid.u32  }
0xb5: {  	s1 =	rddreg [dreg:$0x1];
	p0 =	sne.s32 s2, $0x0  }
0xb6: {  	s3 =	rddreg [dreg:$0x2];
	[bflag:$0x3] =	sbarrier.arrive $0xFFFF;
	s2 =	simm.s32 @!p0 $0x1C04  }
0xb7: {  	[timem:s3], [sflag:s2] =	dma.local @!p0 [hbm:s0], s1  }
0xb8: {  	s0 =	simm.s32 @!p0 $0x4  }
0xb9: {  	_ =	swait.ge @!p0 [sflag:s0], s1  }
0xba: {  	s1 =	ssub.s32 @!p0 $0x0, s1;
	[sflag:s0] =	ssyncset.done @!p0 $0x0  }
0xbb: {  	[sflag:s0] =	ssyncadd.s32 @!p0 s1  }
0xbc: {  	[bflag:$0x3] =	sbarrier.arrive $0xFFFF  }
0xbd: {  	_ =	shalt  }

// kernel: kernel.14.cloned.1.call-start
scs
__scs_entry_jumppad:
0x0: {  	(pc) =	sbr.rel $0x88, $3  }
0x1: {  	(tag) =	ssettag $0x0;
	lr =	simm.s32 $0x1  }
0x2: {  	[smem:$0x3F9B] =	sst lr;
	_ =	strace $0xD0000000  }
0x3: {  	_ = 	snop  }
0x4: {  	_ = 	snop  }
0x5: {  	_ = 	snop  }
0x6: {  	_ = 	snop  }
0x7: {  	_ = 	snop  }
__scs_overlays_trampoline_lowered:
0x8: {  	[smem:$0x3FAA] =	sst s0  }
0x9: {  	[smem:$0x3FAB] =	sst s1  }
0xa: {  	[smem:$0x3FAC] =	sst s2  }
0xb: {  	[smem:$0x3FAD] =	sst s3  }
0xc: {  	[smem:$0x3FAE] =	sst s4  }
0xd: {  	[smem:$0x3FAF] =	sst s5  }
0xe: {  	[smem:$0x3FB0] =	sst s6  }
0xf: {  	[smem:$0x3FB1] =	sst s7  }
0x10: {  	[smem:$0x3FB2] =	sst s8  }
0x11: {  	[smem:$0x3FB3] =	sst s9;
	s0 =	simm.s32 @!p0 $0x0  }
0x12: {  	s1 =	sld [smem:$0x3F99];
	s0 =	simm.s32 @p0 $0x1  }
0x13: {  	[smem:$0x3FB4] =	sst s0;
	s0 =	simm.s32 @!p1 $0x0  }
0x14: {  	s2 =	sld [smem:$0x3F98];
	s0 =	simm.s32 @p1 $0x1  }
0x15: {  	[smem:$0x3FB5] =	sst s0;
	s0 =	simm.s32 @!p2 $0x0  }
0x16: {  	s3 =	sld [smem:$0x3FDB];
	s0 =	simm.s32 @p2 $0x1  }
0x17: {  	s4 =	simm.s32 $0x1BF5;
	[smem:$0x3FB7] =	sst s0  }
0x18: {  	s0 =	sld [smem:$0x3F9A];
	_ =	swait.ge [sflag:s4], $0x0  }
0x19: {  	s7 =	sld [smem:$0x3F9B]  }
0x1a: {  	s8 =	sadd.s32 $0xFFFFE003, lr  }
0x1b: {  	s9 =	sadd.s32 $0xFFFFFEF7, lr;
	s5 =	simm.s32 $0xFFFFFFFF;
	p2 =	slt.u32 s8, $0xFFFFF086  }
0x1c: {  	p1 =	slt.u32 s9, $0xF7A;
	s5 =	simm.s32 @!p2 $0x0  }
0x1d: {  	s5 =	simm.s32 @p1 $0x1;
	p0 =	seq.s32 s7, s2  }
0x1e: {  	s7 =	smul.u32 @!p0 $0xF7A, s2;
	p2 =	seq.s32 @!p0 s5, $0x0  }
0x1f: {  	s9 =	smul.u32 $0xF7A, s1;
	s8 =	simm.s32 @!p0 $0x1BF5;
	p2 =	por !p2, p0  }
0x20: {  	[sflag:s8] =	ssyncset.s32 @!p0 $0xFFFFF086;
	s6 =	sadd.s32 @!p0 s3, s7;
	s7 =	simm.s32 @!p0 $0x108  }
0x21: {  	s3 =	sadd.s32 s3, s9;
	s6 =	sadd.s32 @!p0 $0x88, s6;
	s7 =	simm.s32 @p2 $0x1082  }
0x22: {  	[simem:s7], [sflag:s8] =	dma.local @!p0 [hbm:s6], $0xF7A  }
0x23: {  	s9 =	sor.u32 $0xD0000000, s2;
	s6 =	simm.s32 $0x108;
	_ =	swait.ge @!p0 [sflag:s8], $0x0  }
0x24: {  	s3 =	sadd.s32 $0x88, s3;
	s6 =	simm.s32 @!p1 $0x1082;
	[sflag:s4] =	ssyncset.s32 $0xFFFFF086  }
0x25: {  	[simem:s6], [sflag:s4] =	dma.local [hbm:s3], $0xF7A  }
0x26: {  	[smem:$0x3F9B] =	sst s1;
	(tag) =	ssettag s2;
	_ =	strace s9  }
0x27: {  	s1 =	sld [smem:$0x3FAB]  }
0x28: {  	s2 =	sld [smem:$0x3FAC]  }
0x29: {  	s4 =	sld [smem:$0x3FAE]  }
0x2a: {  	p0 =	seq.s32 s5, $0x0;
	s5 =	sld [smem:$0x3FAF]  }
0x2b: {  	s6 =	sld [smem:$0x3FB0]  }
0x2c: {  	s7 =	sld [smem:$0x3FB1]  }
0x2d: {  	s3 =	simm.s32 $0x108;
	s8 =	sld [smem:$0x3FB2]  }
0x2e: {  	s3 =	simm.s32 @!p0 $0x1082;
	s9 =	sld [smem:$0x3FB3]  }
0x2f: {  	lr =	sadd.s32 s0, s3;
	s0 =	sld [smem:$0x3FAA]  }
0x30: {  	s3 =	sld [smem:$0x3FAD]  }
0x31: {  	[smem:$0x3FB6] =	sst s10  }
0x32: {  	s10 =	sld [smem:$0x3FB4];
	_ =	sdelay $0x3  }
0x33: {  	p0 =	seq.s32 s10, $0x1;
	s10 =	sld [smem:$0x3FB6];
	_ =	sdelay $0x3  }
0x34: {  	[smem:$0x3FB6] =	sst s10  }
0x35: {  	s10 =	sld [smem:$0x3FB5];
	_ =	sdelay $0x3  }
0x36: {  	p1 =	seq.s32 s10, $0x1;
	s10 =	sld [smem:$0x3FB6];
	_ =	sdelay $0x3  }
0x37: {  	[smem:$0x3FB6] =	sst s10  }
0x38: {  	s10 =	sld [smem:$0x3FB7]  }
0x39: {  	_ = 	snop;
	(pc) =	sbr.ind lr, $3  }
0x3a: {  	_ = 	snop  }
0x3b: {  	_ = 	snop  }
0x3c: {  	p2 =	seq.s32 s10, $0x1;
	s10 =	sld [smem:$0x3FB6]  }
0x3d: {  	_ =	shalt  }
0x3e: {  	_ =	shalt  }
0x3f: {  	_ =	shalt  }
0x40: {  	_ =	shalt  }
0x41: {  	_ =	shalt  }
0x42: {  	_ =	shalt  }
0x43: {  	_ =	shalt  }
0x44: {  	_ =	shalt  }
0x45: {  	_ =	shalt  }
0x46: {  	_ =	shalt  }
0x47: {  	_ =	shalt  }
0x48: {  	_ =	shalt  }
0x49: {  	_ =	shalt  }
0x4a: {  	_ =	shalt  }
0x4b: {  	_ =	shalt  }
0x4c: {  	_ =	shalt  }
0x4d: {  	_ =	shalt  }
0x4e: {  	_ =	shalt  }
0x4f: {  	_ =	shalt  }
0x50: {  	_ =	shalt  }
0x51: {  	_ =	shalt  }
0x52: {  	_ =	shalt  }
0x53: {  	_ =	shalt  }
0x54: {  	_ =	shalt  }
0x55: {  	_ =	shalt  }
0x56: {  	_ =	shalt  }
0x57: {  	_ =	shalt  }
0x58: {  	_ =	shalt  }
0x59: {  	_ =	shalt  }
0x5a: {  	_ =	shalt  }
0x5b: {  	_ =	shalt  }
0x5c: {  	_ =	shalt  }
0x5d: {  	_ =	shalt  }
0x5e: {  	_ =	shalt  }
0x5f: {  	_ =	shalt  }
0x60: {  	_ =	shalt  }
0x61: {  	_ =	shalt  }
0x62: {  	_ =	shalt  }
0x63: {  	_ =	shalt  }
0x64: {  	_ =	shalt  }
0x65: {  	_ =	shalt  }
0x66: {  	_ =	shalt  }
0x67: {  	_ =	shalt  }
0x68: {  	_ =	shalt  }
0x69: {  	_ =	shalt  }
0x6a: {  	_ =	shalt  }
0x6b: {  	_ =	shalt  }
0x6c: {  	_ =	shalt  }
0x6d: {  	_ =	shalt  }
0x6e: {  	_ =	shalt  }
0x6f: {  	_ =	shalt  }
0x70: {  	_ =	shalt  }
0x71: {  	_ =	shalt  }
0x72: {  	_ =	shalt  }
0x73: {  	_ =	shalt  }
0x74: {  	_ =	shalt  }
0x75: {  	_ =	shalt  }
0x76: {  	_ =	shalt  }
0x77: {  	_ =	shalt  }
0x78: {  	_ =	shalt  }
0x79: {  	_ =	shalt  }
0x7a: {  	_ =	shalt  }
0x7b: {  	_ =	shalt  }
0x7c: {  	_ =	shalt  }
0x7d: {  	_ =	shalt  }
0x7e: {  	_ =	shalt  }
0x7f: {  	_ =	shalt  }
0x80: {  	_ =	shalt  }
0x81: {  	_ =	shalt  }
0x82: {  	_ =	shalt  }
0x83: {  	_ =	shalt  }
0x84: {  	_ =	shalt  }
0x85: {  	_ =	shalt  }
0x86: {  	_ =	shalt  }
0x87: {  	_ =	shalt  }
.Lfunc_end0:
.L_simem_size_0:
called_computation.2_lowered:
.L_overlay_start_0:
0x88: {  	s2 =	sld [smem:$0x3FD9]  }
0x89: {  	s3 =	sld [smem:$0x3FFE];
	_ =	sdelay $0x1  }
0x8a: {  	s1 =	srdreg.scid  }
0x8b: {  	s0 =	sand.u32 $0x1, s1  }
0x8c: {  	s17 =	sshll.u32 s0, $0xA;
	s2 =	sadd.s32 s3, s2  }
0x8d: {  	s2 =	sadd.s32 s2, s17  }
0x8e: {  	[smem:$0x3FC2] =	sst s2  }
0x8f: {  	_ = 	snop  }
0x90: {  	s2 =	sld [smem:$0x3FD0];
	(tm) =	ssettm $0x1  }
0x91: {  	s18 =	sld [smem:$0x3FFB];
	_ =	sdelay $0x3  }
0x92: {  	_ =	strace s18  }
0x93: {  	s3 =	sld [smem:$0x3FFC];
	_ =	sdelay $0x3  }
0x94: {  	_ =	strace s3  }
0x95: {  	s3 =	sld [smem:$0x3FFD];
	_ =	sdelay $0x3  }
0x96: {  	_ =	strace s3  }
0x97: {  	_ =	strace $0x8FFFFFFF  }
0x98: {  	s19 =	sld [smem:$0x3FDB];
	_ =	sdelay $0x1  }
0x99: {  	s4 =	simm.s32 $_scs_section_size  }
0x9a: {  	s5 =	simm.s32 $_size__tile_overlayer_lowered;
	s6 =	simm.s32 $_tile_overlayer_lowered  }
0x9b: {  	s22 =	simm.s32 $0x1BFF;
	s21 =	sshll.u32 s6, $0x1;
	s3 =	sadd.s32 s4, s19  }
0x9c: {  	s7 =	simm.s32 $0x0;
	s20 =	sshll.u32 s5, $0x1;
	s5 =	sadd.s32 s21, s3  }
0x9d: {  	[timem:s7], [sflag:s22] =	dma.local [hbm:s5], s20  }
0x9e: {  	_ =	swait.ge [sflag:s22], s20  }
0x9f: {  	s4 =	ssub.s32 $0x0, s20;
	[sflag:s22] =	ssyncset.done $0x0  }
0xa0: {  	[sflag:s22] =	ssyncadd.s32 s4;
	_ =	sdelay $0x1  }
0xa1: {  	s23 =	simm.s32 $0x1B8B  }
0xa2: {  	_ =	swait.ge [sflag:s23], $0x1  }
0xa3: {  	[sflag:s23] =	ssyncset.done $0x0  }
0xa4: {  	s25 =	simm.s32 $0x1B8E;
	s24 =	sld [smem:$0x3FFE];
	[sflag:s23] =	ssyncadd.s32 $0xFFFFFFFF  }
0xa5: {  	s26 =	simm.s32 $execute0_lowered;
	[smem:$0x3FD2] =	sst s25  }
0xa6: {  	s5 =	sshll.u32 s26, $0x1;
	_ =	strace $0x8000004C;
	[dreg:$0x1] =	wrdreg $0xFFFFFFFF  }
0xa7: {  	s28 =	simm.s32 $_size_execute0_lowered;
	s3 =	sadd.s32 s3, s5;
	[dreg:$0x0] =	wrdreg $0x0  }
0xa8: {  	s5 =	sshll.u32 s28, $0x1;
	[dreg:$0x2] =	wrdreg s3  }
0xa9: {  	[dreg:$0x3] =	wrdreg s5  }
0xaa: {  	[dreg:$0x4] =	wrdreg $0xC0  }
0xab: {  	_ =	task [dreg:s7], $0x5FFFF  }
0xac: {  	[dreg:$0x1] =	wrdreg $0xFFFFFFFF  }
0xad: {  	[dreg:$0x0] =	wrdreg $0x60  }
0xae: {  	[dreg:$0x2] =	wrdreg s2  }
0xaf: {  	[dreg:$0x3] =	wrdreg s24  }
0xb0: {  	[dreg:$0x4] =	wrdreg $0x15D000  }
0xb1: {  	[dreg:$0x5] =	wrdreg $0x9  }
0xb2: {  	_ =	task.clear_ibuf [dreg:s7], $0x6FFFF;
	_ =	strace $0x9000004C  }
0xb3: {  	s29 =	simm.s32 $0x9;
	_ =	strace $0x8000004E  }
0xb4: {  	_ =	swait.ge [sflag:s29], $0x1  }
0xb5: {  	[sflag:s29] =	ssyncadd.s32 $0xFFFFFFFF  }
0xb6: {  	_ =	strace $0x9000004E  }
0xb7: {  	_ =	sfence  }
0xb8: {  	s30 =	sld [smem:$0x0];
	_ =	sdelay $0x2  }
0xb9: {  	s31 =	sshll.u32 s1, $0xD;
	s1 =	sshrl.u32 s1, $0x2  }
0xba: {  	s3 =	sand.u32 $0x4000, s31;
	s1 =	sadd.s32 s1, s30  }
0xbb: {  	s0 =	sor.u32 s3, s0;
	s1 =	sshll.u32 s1, $0x11  }
0xbc: {  	s0 =	sor.u32 s1, s0  }
0xbd: {  	s0 =	sadd.s32 $0x8F2B, s0  }
0xbe: {  	[sflag:s0] =	ssyncadd.remote.s32 $0x1  }
0xbf: {  	_ =	sfence.sel $0xFFFF  }
0xc0: {  	[dreg:$0x0] =	wrdreg $0xFFFFFFFF;
	(pc) =	sbr.abs _section_cstart, $3  }
0xc1: {  	[dreg:$0x1] =	wrdreg $0xFFFFFFFF  }
0xc2: {  	_ =	task.clear_ibuf [dreg:s7], $0x2FFFF;
	_ =	strace $0x9FFFFFFF  }
0xc3: {  	(tm) =	ssettm $0x7FFFFFFF  }
tec
execute0_lowered:
.L_overlay_start_1:
0x0: {  	(tag) =	ssettag $0x1  }
0x1: {  	s1 =	rddreg [dreg:$0x0];
	s0 =	srdreg.scid  }
0x2: {  	s10 =	stileid.u32;
	s2 =	rddreg [dreg:$0x1]  }
0x3: {  	s3 =	rddreg [dreg:$0x2];
	s5 =	smul.u32 $0x4E80, s10  }
0x4: {  	s4 =	simm.s32 $0x0;
	s28 =	simm.s32 $0x10;
	s9 =	smul.u32 $0x28000, s10  }
0x5: {  	s29 =	simm.s32 $0x8;
	s30 =	simm.s32 $0x3;
	s26 =	smul.u32 $0x280, s10  }
0x6: {  	s31 =	simm.s32 $0x0;
	s0 =	sand.u32 $0x1, s0;
	s13 =	smul.u32 $0x14000, s10  }
0x7: {  	[smem:$0x7FF] =	sst s4;
	s6 =	smul.u32 $0x4E800, s0;
	s7 =	ssub.s32 $0x2, s0  }
0x8: {  	_ =	strace $0x8000004D;
	s0 =	smul.u32 $0x140000, s0;
	s8 =	sshrl.u32 s7, $0x1  }
0x9: {  	s25 =	sshrl.u32 s9, $0x2;
	s14 =	sadd.s32 $0x80, s26;
	s19 =	sadd.s32 $0x100, s26  }
0xa: {  	s22 =	sadd.s32 $0x180, s26;
	s6 =	sadd.s32 s5, s6;
	s5 =	sshrl.u32 s5, $0x3  }
0xb: {  	s8 =	ssub.s32 s7, s8;
	s7 =	sadd.s32 s25, s3;
	s17 =	sshll.u32 s14, $0x7  }
0xc: {  	s21 =	sshll.u32 s19, $0x7;
	s10 =	sshll.u32 s19, $0x6;
	s25 =	sshll.u32 s22, $0x6  }
0xd: {  	s19 =	simm.s32 $0x9D00;
	s6 =	sshrl.u32 s6, $0x3;
	s5 =	sadd.s32 s5, s2  }
0xe: {  	s11 =	smax.u32 s8, $0x1;
	s12 =	sadd.s32 $0x2000, s7;
	s15 =	sadd.s32 $0x4000, s7  }
0xf: {  	s16 =	sadd.s32 $0x6000, s7;
	s18 =	sadd.s32 $0x8000, s7;
	[dreg:$0x6] =	wrdreg s11  }
0x10: {  	s9 =	sadd.s32 s0, s17;
	s8 =	sshll.u32 s14, $0x6;
	[dreg:$0x7] =	wrdreg s12  }
0x11: {  	s10 =	sadd.s32 s10, s3;
	s6 =	sadd.s32 s6, s2;
	[dreg:$0x8] =	wrdreg s15  }
0x12: {  	s2 =	sadd.s32 $0x21400, s2;
	s5 =	sadd.s32 $0x3200, s5;
	[dreg:$0x9] =	wrdreg s16  }
0x13: {  	[dreg:$0xa] =	wrdreg s18;
	s9 =	sshrl.u32 s9, $0x3;
	s8 =	sadd.s32 s8, s3  }
0x14: {  	s11 =	sshll.u32 s22, $0x7;
	s6 =	sadd.s32 $0xDA00, s6;
	[dreg:$0x5] =	wrdreg s5  }
0x15: {  	s5 =	sadd.s32 s0, s13;
	s20 =	sadd.s32 s2, s9;
	s23 =	sadd.s32 s0, s11  }
0x16: {  	s22 =	sshrl.u32 s8, $0x3;
	[dreg:$0x4] =	wrdreg s6;
	s5 =	sshrl.u32 s5, $0x3  }
0x17: {  	[dreg:$0xc] =	wrdreg s20;
	s6 =	sadd.s32 $0x200, s26;
	s5 =	sadd.s32 s2, s5  }
0x18: {  	s20 =	simm.s32 $0x2;
	[dreg:$0xb] =	wrdreg s5;
	s5 =	sadd.s32 s0, s21  }
0x19: {  	s24 =	sshll.u32 s6, $0x7;
	s6 =	sshll.u32 s6, $0x6;
	s5 =	sshrl.u32 s5, $0x3  }
0x1a: {  	s0 =	sadd.s32 s0, s24;
	s26 =	sadd.s32 s6, s3;
	s5 =	sadd.s32 s2, s5  }
0x1b: {  	s0 =	sshrl.u32 s0, $0x3;
	[dreg:$0xd] =	wrdreg s5;
	s5 =	sshrl.u32 s23, $0x3  }
0x1c: {  	s21 =	simm.s32 $0x80;
	s17 =	sadd.s32 s2, s0;
	s5 =	sadd.s32 s2, s5  }
0x1d: {  	s23 =	sshrl.u32 s10, $0x3;
	[dreg:$0xe] =	wrdreg s5;
	s5 =	sadd.s32 s25, s3  }
0x1e: {  	v0 =	vimm.f32 $0.0e+00;
	s25 =	sshrl.u32 s26, $0x3;
	s26 =	simm.s32 $0x1;
	s24 =	sshrl.u32 s5, $0x3  }
.LBB2_1:
0x1f: {  	s0 =	rddreg [dreg:$0x4]  }
0x20: {  	[tilespmem:s4], [sflag:$0x3] =	stream.linear.gather [hbm4b:s0+s4], $0x4E80, $0x38;
	[tilespmem:$0x1FD00] =	vst v63  }
0x21: {  	s18 =	rddreg [dreg:$0x5];
	s2 =	simm.s32 $0x4E80  }
0x22: {  	[tilespmem:s2], [sflag:$0x3] =	stream.linear.gather [hbm4b:s18+s4], $0x4E80, $0x38;
	[tilespmem:$0x1FD00] =	vst v63  }
0x23: {  	s0 =	simm.s32 $0x0;
	s2 =	simm.s32 $0x100  }
.LBB2_2:
0x24: {  	p0 =	sne.s32 s2, $0x7F00;
	[tilespmem:s0+$0x9D30] =	vst v0;
	s5 =	smov.u32 s2;
	s2 =	sadd.s32 $0x100, s2  }
.Ltmp0:
0x25: {  	[tilespmem:s0+$0x9D20] =	vst v0;
	(pc) =	sbr.rel @p0 .LBB2_2-.Ltmp0, $3  }
0x26: {  	[tilespmem:s0+$0x9D00] =	vst v0  }
0x27: {  	[tilespmem:s0+$0x9D10] =	vst v0;
	_ =	sdelay $0x1  }
0x28: {  	s0 =	sshra.s32 s5, $0x2  }
0x29: {  	[tilespmem:s0+$0x9D30] =	vst v0  }
0x2a: {  	[tilespmem:s0+$0x9D20] =	vst v0  }
0x2b: {  	[tilespmem:s0+$0x9D00] =	vst v0  }
0x2c: {  	[tilespmem:s0+$0x9D10] =	vst v0  }
0x2d: {  	[spmem:s7] =	stream.linear.scatter [tilespmem:s19], [sflag:$0x2], $0x2000, $0x38;
	[tilespmem:$0x1FD00] =	vst v63  }
0x2e: {  	s8 =	rddreg [dreg:$0x7]  }
0x2f: {  	[spmem:s8] =	stream.linear.scatter [tilespmem:s19], [sflag:$0x2], $0x2000, $0x38;
	[tilespmem:$0x1FD00] =	vst v63  }
0x30: {  	s9 =	rddreg [dreg:$0x8]  }
0x31: {  	[spmem:s9] =	stream.linear.scatter [tilespmem:s19], [sflag:$0x2], $0x2000, $0x38;
	[tilespmem:$0x1FD00] =	vst v63  }
0x32: {  	s10 =	rddreg [dreg:$0x9]  }
0x33: {  	[spmem:s10] =	stream.linear.scatter [tilespmem:s19], [sflag:$0x2], $0x2000, $0x38;
	[tilespmem:$0x1FD00] =	vst v63  }
0x34: {  	s11 =	rddreg [dreg:$0xa]  }
0x35: {  	[spmem:s11] =	stream.linear.scatter [tilespmem:s19], [sflag:$0x2], $0x2000, $0x38;
	[tilespmem:$0x1FD00] =	vst v63  }
0x36: {  	_ =	swait.ge [sflag:s20], $0x2000  }
0x37: {  	[sflag:s20] =	ssyncset.done $0x0  }
0x38: {  	[sflag:s20] =	ssyncadd.s32 $0xFFFFE000  }
0x39: {  	_ =	swait.ge [sflag:s20], $0x2000  }
0x3a: {  	[sflag:s20] =	ssyncset.done $0x0  }
0x3b: {  	[sflag:s20] =	ssyncadd.s32 $0xFFFFE000  }
0x3c: {  	_ =	swait.ge [sflag:s20], $0x2000  }
0x3d: {  	[sflag:s20] =	ssyncset.done $0x0  }
0x3e: {  	[sflag:s20] =	ssyncadd.s32 $0xFFFFE000  }
0x3f: {  	_ =	swait.ge [sflag:s20], $0x2000  }
0x40: {  	[sflag:s20] =	ssyncset.done $0x0  }
0x41: {  	[sflag:s20] =	ssyncadd.s32 $0xFFFFE000  }
0x42: {  	_ =	swait.ge [sflag:s20], $0x2000  }
0x43: {  	[sflag:s20] =	ssyncset.done $0x0  }
0x44: {  	s0 =	simm.s32 $0x3;
	[sflag:s20] =	ssyncadd.s32 $0xFFFFE000  }
0x45: {  	_ =	swait.ge [sflag:s0], $0x4E80  }
0x46: {  	[sflag:s0] =	ssyncset.done $0x0  }
0x47: {  	[sflag:s0] =	ssyncadd.s32 $0xFFFFB180  }
0x48: {  	_ =	swait.ge [sflag:s0], $0x4E80  }
0x49: {  	[sflag:s0] =	ssyncset.done $0x0  }
0x4a: {  	p1 =	por $0x1, $0x1;
	[sflag:s0] =	ssyncadd.s32 $0xFFFFB180  }
0x4b: {  	p0 =	por @!p1 $0x0, $0x0;
	[bflag:$0x0] =	sbarrier.arrive $0xFFFF  }
0x4c: {  	[tilespmem:s19], [sflag:$0x1] =	stream.indirect.gather [hbm4b:s1+s21], $0x40, s4, s21, $0xb8;
	[tilespmem:$0x1FD00] =	vst v63  }
0x4d: {  	s2 =	simm.s32 $0xBD00;
	s12 =	simm.s32 $0x100;
	p0 =	por p0, p1  }
0x4e: {  	[tilespmem:s2], [sflag:$0x1] =	stream.indirect.gather [hbm4b:s1+s21], $0x40, s21, s21, $0xb8;
	[tilespmem:$0x1FD00] =	vst v63  }
0x4f: {  	s5 =	simm.s32 $0xDD00;
	s18 =	simm.s32 $0x0;
	s0 =	smul.u32 @!p0 $0xAB, s0  }
0x50: {  	[tilespmem:s5], [sflag:$0x1] =	stream.indirect.gather [hbm4b:s1+s21], $0x40, s12, s21, $0xb8;
	[tilespmem:$0x1FD00] =	vst v63  }
0x51: {  	s13 =	simm.s32 $0xFD00;
	s2 =	simm.s32 $0x180;
	s5 =	smul.u32 $0xAB, s18  }
0x52: {  	[tilespmem:s13], [sflag:$0x1] =	stream.indirect.gather [hbm4b:s1+s21], $0x40, s2, s21, $0xb8;
	[tilespmem:$0x1FD00] =	vst v63  }
0x53: {  	s14 =	simm.s32 $0x200;
	s5 =	sshrl.u32 s5, $0xA  }
0x54: {  	s6 =	simm.s32 $0x11D00;
	s0 =	sshrl.u32 @!p0 s0, $0xA;
	s5 =	sand.u32 $0x3F, s5  }
0x55: {  	[tilespmem:s6], [sflag:$0x1] =	stream.indirect.gather [hbm4b:s1+s21], $0x40, s14, s21, $0xb8;
	[tilespmem:$0x1FD00] =	vst v63  }
0x56: {  	s15 =	simm.s32 $0x280;
	s0 =	sand.u32 @!p0 $0x3F, s0;
	s5 =	smul.u32 $0x6, s5  }
0x57: {  	s16 =	simm.s32 $0x13D00;
	p1 =	por p1, p1;
	s6 =	smul.u32 @!p0 $0x6, s0  }
0x58: {  	[tilespmem:s16], [sflag:$0x1] =	stream.indirect.gather [hbm4b:s1+s21], $0x40, s15, s21, $0xb8;
	[tilespmem:$0x1FD00] =	vst v63  }
0x59: {  	s8 =	simm.s32 $0x5;
	s11 =	simm.s32 $0x4E80;
	s5 =	ssub.s32 $0x0, s5  }
0x5a: {  	s18 =	simm.s32 $0x4E80;
	s6 =	ssub.s32 @!p0 $0x3, s6;
	s5 =	sand.u32 $0xFF, s5  }
0x5b: {  	s0 =	simm.s32 $0x4;
	s6 =	sand.u32 @!p0 $0xFF, s6;
	s10 =	sshll.u32 s5, $0xD  }
0x5c: {  	s5 =	simm.s32 $0x1;
	s9 =	sshll.u32 @!p0 s6, $0xD;
	s6 =	simm.s32 $0x180  }
.LBB2_4:
0x5d: {  	s2 =	sadd.s32 $0x80, s2;
	s18 =	sadd.s32 $0x80, s18  }
0x5e: {  	s12 =	smov.u32 s8;
	s8 =	sadd.s32 $0x1, s8;
	p3 =	por p0, p0  }
0x5f: {  	p2 =	slt.u32 s5, $0x3;
	_ =	swait.ge [sflag:s26], $0x2000;
	s13 =	simm.s32 @!p3 $0x80  }
0x60: {  	s14 =	smul.u32 $0xAB, s5;
	p0 =	sgt.u32 @!p2 s5, $0x99;
	[sflag:s26] =	ssyncset.done $0x0  }
0x61: {  	s15 =	simm.s32 @!p1 $0x2;
	p0 =	por p0, p2;
	[sflag:s26] =	ssyncadd.s32 $0xFFFFE000  }
0x62: {  	s10 =	sadd.s32 $0x9D00, s10;
	s14 =	sshrl.u32 s14, $0xA;
	s16 =	smul.u32 @!p0 $0xAB, s0  }
0x63: {  	[spmem:s3] =	stream.indirect.scatter.add.f32 [tilespmem:s10], [sflag:$0x2], $0x40, s11, s21, $0xb8;
	[tilespmem:$0x1FD00] =	vst v63  }
0x64: {  	s10 =	sand.u32 $0x3F, s14;
	s11 =	sshrl.u32 @!p0 s16, $0xA;
	_ =	swait.ge @!p1 [sflag:s15], $0x2000  }
0x65: {  	s10 =	smul.u32 $0x6, s10;
	s11 =	sand.u32 @!p0 $0x3F, s11;
	[sflag:s15] =	ssyncset.done @!p1 $0x0  }
0x66: {  	s9 =	sadd.s32 @!p3 $0x9D00, s9;
	s11 =	smul.u32 @!p0 $0x6, s11;
	[sflag:s15] =	ssyncadd.s32 @!p1 $0xFFFFE000  }
0x67: {  	[tilespmem:s9], [sflag:$0x1] =	stream.indirect.gather @!p3 [hbm4b:s1+s13], $0x40, s6, s13, $0xb8;
	[tilespmem:$0x1FD00] =	vst v63  }
0x68: {  	p3 =	sne.s32 s8, $0xA0  }
.Ltmp1:
0x69: {  	_ = 	snop;
	(pc) =	sbr.rel @p3 .LBB2_4-.Ltmp1, $4  }
0x6a: {  	s5 =	ssub.s32 s5, s10;
	s6 =	smov.u32 s2  }
0x6b: {  	s5 =	sand.u32 $0xFF, s5;
	s9 =	ssub.s32 @!p0 s0, s11;
	s0 =	smov.u32 s12  }
0x6c: {  	s11 =	smov.u32 s18;
	s10 =	sshll.u32 s5, $0xD;
	s9 =	sand.u32 @!p0 $0xFF, s9  }
0x6d: {  	p1 =	por p2, p2;
	s5 =	sadd.s32 $0xFFFFFFFD, s0;
	s9 =	sshll.u32 @!p0 s9, $0xD  }
0x6e: {  	_ =	swait.ge [sflag:s26], $0x2000  }
0x6f: {  	[sflag:s26] =	ssyncset.done $0x0  }
0x70: {  	s8 =	sadd.s32 $0x9D00, s10;
	[sflag:s26] =	ssyncadd.s32 $0xFFFFE000  }
0x71: {  	[spmem:s3] =	stream.indirect.scatter.add.f32 [tilespmem:s8], [sflag:$0x2], $0x40, s11, s21, $0xb8;
	[tilespmem:$0x1FD00] =	vst v63  }
0x72: {  	s11 =	smul.u32 $0xAB, s5  }
0x73: {  	s10 =	simm.s32 @!p1 $0x2  }
0x74: {  	p0 =	por p0, p0;
	_ =	swait.ge @!p1 [sflag:s10], $0x2000;
	s8 =	sshrl.u32 s11, $0xA  }
0x75: {  	s9 =	sadd.s32 @!p0 $0x9D00, s9;
	[sflag:s10] =	ssyncset.done @!p1 $0x0;
	s8 =	sand.u32 $0x3F, s8  }
0x76: {  	[sflag:s10] =	ssyncadd.s32 @!p1 $0xFFFFE000;
	s10 =	simm.s32 @!p0 $0x80;
	s8 =	smul.u32 $0x6, s8  }
0x77: {  	[tilespmem:s9], [sflag:$0x1] =	stream.indirect.gather @!p0 [hbm4b:s1+s10], $0x40, s6, s10, $0xb8;
	[tilespmem:$0x1FD00] =	vst v63  }
0x78: {  	s12 =	sadd.s32 $0x80, s18;
	p1 =	slt.u32 s5, $0x3;
	s8 =	ssub.s32 s5, s8  }
0x79: {  	p0 =	sgt.u32 @!p1 s5, $0x99;
	_ =	swait.ge [sflag:s26], $0x2000;
	s13 =	sand.u32 $0xFF, s8  }
0x7a: {  	p0 =	por p0, p1;
	[sflag:s26] =	ssyncset.done $0x0;
	s5 =	sshll.u32 s13, $0xD  }
0x7b: {  	s8 =	smul.u32 @!p0 $0xAB, s0;
	[sflag:s26] =	ssyncadd.s32 $0xFFFFE000;
	s5 =	sadd.s32 $0x9D00, s5  }
0x7c: {  	[spmem:s3] =	stream.indirect.scatter.add.f32 [tilespmem:s5], [sflag:$0x2], $0x40, s12, s21, $0xb8;
	[tilespmem:$0x1FD00] =	vst v63  }
0x7d: {  	s5 =	sshrl.u32 @!p0 s8, $0xA  }
0x7e: {  	s5 =	sand.u32 @!p0 $0x3F, s5  }
0x7f: {  	s5 =	smul.u32 @!p0 $0x6, s5  }
0x80: {  	p1 =	por p1, p1  }
0x81: {  	s0 =	ssub.s32 @!p0 s0, s5;
	s5 =	simm.s32 @!p1 $0x2  }
0x82: {  	s2 =	sadd.s32 $0x80, s2;
	s0 =	sand.u32 @!p0 $0xFF, s0;
	_ =	swait.ge @!p1 [sflag:s5], $0x2000  }
0x83: {  	s0 =	sshll.u32 @!p0 s0, $0xD;
	p0 =	por p0, p0;
	[sflag:s5] =	ssyncset.done @!p1 $0x0  }
0x84: {  	[sflag:s5] =	ssyncadd.s32 @!p1 $0xFFFFE000;
	s5 =	simm.s32 @!p0 $0x80;
	s0 =	sadd.s32 @!p0 $0x9D00, s0  }
0x85: {  	[tilespmem:s0], [sflag:$0x1] =	stream.indirect.gather @!p0 [hbm4b:s1+s5], $0x40, s2, s5, $0xb8;
	[tilespmem:$0x1FD00] =	vst v63  }
0x86: {  	_ =	swait.ge [sflag:s20], $0x2000  }
0x87: {  	[sflag:s20] =	ssyncset.done $0x0  }
0x88: {  	[sflag:s20] =	ssyncadd.s32 $0xFFFFE000  }
0x89: {  	_ =	swait.ge [sflag:s20], $0x2000  }
0x8a: {  	[sflag:s20] =	ssyncset.done $0x0  }
0x8b: {  	[sflag:s20] =	ssyncadd.s32 $0xFFFFE000  }
0x8c: {  	_ =	swait.ge [sflag:s20], $0x2000  }
0x8d: {  	[sflag:s20] =	ssyncset.done $0x0  }
0x8e: {  	s14 =	stileid.u32;
	[sflag:s20] =	ssyncadd.s32 $0xFFFFE000  }
0x8f: {  	s0 =	sshll.u32 s14, $0x6;
	[bflag:$0x0] =	sbarrier.arrive $0xFFFF  }
0x90: {  	s15 =	sshrl.u32 s7, $0x3;
	s0 =	sor.u32 $0x1C03, s0;
	s16 =	rddreg [dreg:$0xb]  }
0x91: {  	[hbm:s16@s28], [sflag:s0] =	dma.strided [spmem:s15@s29], $0x400, s26, $0x8   }
0x92: {  	s2 =	rddreg [dreg:$0xc]  }
0x93: {  	[hbm:s2@s28], [sflag:s0] =	dma.strided [spmem:s22@s29], $0x400, s26, $0x8   }
0x94: {  	s2 =	rddreg [dreg:$0xd]  }
0x95: {  	[hbm:s2@s28], [sflag:s0] =	dma.strided [spmem:s23@s29], $0x400, s26, $0x8   }
0x96: {  	s2 =	rddreg [dreg:$0xe]  }
0x97: {  	[hbm:s2@s28], [sflag:s0] =	dma.strided [spmem:s24@s29], $0x400, s26, $0x8   }
0x98: {  	[hbm:s17@s28], [sflag:s0] =	dma.strided [spmem:s25@s29], $0x400, s26, $0x8   }
0x99: {  	_ =	swait.ge [sflag:s30], $0x400  }
0x9a: {  	[sflag:s30] =	ssyncset.done $0x0  }
0x9b: {  	[sflag:s30] =	ssyncadd.s32 $0xFFFFFC00  }
0x9c: {  	_ =	swait.ge [sflag:s30], $0x400  }
0x9d: {  	[sflag:s30] =	ssyncset.done $0x0  }
0x9e: {  	[sflag:s30] =	ssyncadd.s32 $0xFFFFFC00  }
0x9f: {  	_ =	swait.ge [sflag:s30], $0x400  }
0xa0: {  	[sflag:s30] =	ssyncset.done $0x0  }
0xa1: {  	[sflag:s30] =	ssyncadd.s32 $0xFFFFFC00  }
0xa2: {  	_ =	swait.ge [sflag:s30], $0x400  }
0xa3: {  	[sflag:s30] =	ssyncset.done $0x0  }
0xa4: {  	[sflag:s30] =	ssyncadd.s32 $0xFFFFFC00  }
0xa5: {  	_ =	swait.ge [sflag:s30], $0x400  }
0xa6: {  	s31 =	sadd.s32 $0x1, s31;
	s18 =	rddreg [dreg:$0x6]  }
0xa7: {  	p0 =	sne.s32 s31, s18  }
.Ltmp2:
0xa8: {  	_ = 	snop;
	(pc) =	sbr.rel @p0 .LBB2_1-.Ltmp2, $3  }
0xa9: {  	_ =	sdelay $0x1  }
0xaa: {  	[sflag:s30] =	ssyncset.done $0x0  }
0xab: {  	[sflag:s30] =	ssyncadd.s32 $0xFFFFFC00  }
0xac: {  	_ =	sfence.sel $0x180000  }
0xad: {  	[bflag:$0x0] =	sbarrier.arrive $0xFFFF  }
0xae: {  	_ =	strace $0x9000004D  }
0xaf: {  	s0 =	stileid.u32;
	[bflag:$0x2] =	sbarrier.arrive $0xFFFF  }
0xb0: {  	p0 =	sne.s32 s0, $0x0;
	s0 =	rddreg [dreg:$0x3]  }
0xb1: {  	s0 =	sadd.s32 @!p0 $0x100000, s0  }
0xb2: {  	[sflag:s0] =	ssyncadd.tile.s32 @!p0 $0x1;
	_ =	shalt  }
.Lfunc_end2:
_tile_overlayer_lowered:
.L_overlay_start_2:
0xb3: {  	(tag) =	ssettag $0x2  }
0xb4: {  	s0 =	rddreg [dreg:$0x0];
	s2 =	stileid.u32  }
0xb5: {  	s1 =	rddreg [dreg:$0x1];
	p0 =	sne.s32 s2, $0x0  }
0xb6: {  	s3 =	rddreg [dreg:$0x2];
	[bflag:$0x3] =	sbarrier.arrive $0xFFFF;
	s2 =	simm.s32 @!p0 $0x1C04  }
0xb7: {  	[timem:s3], [sflag:s2] =	dma.local @!p0 [hbm:s0], s1  }
0xb8: {  	s0 =	simm.s32 @!p0 $0x4  }
0xb9: {  	_ =	swait.ge @!p0 [sflag:s0], s1  }
0xba: {  	s1 =	ssub.s32 @!p0 $0x0, s1;
	[sflag:s0] =	ssyncset.done @!p0 $0x0  }
0xbb: {  	[sflag:s0] =	ssyncadd.s32 @!p0 s1  }
0xbc: {  	[bflag:$0x3] =	sbarrier.arrive $0xFFFF  }
0xbd: {  	_ =	shalt  }

// kernel: kernel.8.cloned.1.call-start
scs
__scs_entry_jumppad:
0x0: {  	(pc) =	sbr.rel $0x88, $3  }
0x1: {  	(tag) =	ssettag $0x0;
	lr =	simm.s32 $0x1  }
0x2: {  	[smem:$0x3F9B] =	sst lr;
	_ =	strace $0xD0000000  }
0x3: {  	_ = 	snop  }
0x4: {  	_ = 	snop  }
0x5: {  	_ = 	snop  }
0x6: {  	_ = 	snop  }
0x7: {  	_ = 	snop  }
__scs_overlays_trampoline_lowered:
0x8: {  	[smem:$0x3FAA] =	sst s0  }
0x9: {  	[smem:$0x3FAB] =	sst s1  }
0xa: {  	[smem:$0x3FAC] =	sst s2  }
0xb: {  	[smem:$0x3FAD] =	sst s3  }
0xc: {  	[smem:$0x3FAE] =	sst s4  }
0xd: {  	[smem:$0x3FAF] =	sst s5  }
0xe: {  	[smem:$0x3FB0] =	sst s6  }
0xf: {  	[smem:$0x3FB1] =	sst s7  }
0x10: {  	[smem:$0x3FB2] =	sst s8  }
0x11: {  	[smem:$0x3FB3] =	sst s9;
	s0 =	simm.s32 @!p0 $0x0  }
0x12: {  	s1 =	sld [smem:$0x3F99];
	s0 =	simm.s32 @p0 $0x1  }
0x13: {  	[smem:$0x3FB4] =	sst s0;
	s0 =	simm.s32 @!p1 $0x0  }
0x14: {  	s2 =	sld [smem:$0x3F98];
	s0 =	simm.s32 @p1 $0x1  }
0x15: {  	[smem:$0x3FB5] =	sst s0;
	s0 =	simm.s32 @!p2 $0x0  }
0x16: {  	s3 =	sld [smem:$0x3FDB];
	s0 =	simm.s32 @p2 $0x1  }
0x17: {  	s4 =	simm.s32 $0x1BF5;
	[smem:$0x3FB7] =	sst s0  }
0x18: {  	s0 =	sld [smem:$0x3F9A];
	_ =	swait.ge [sflag:s4], $0x0  }
0x19: {  	s7 =	sld [smem:$0x3F9B]  }
0x1a: {  	s8 =	sadd.s32 $0xFFFFE003, lr  }
0x1b: {  	s9 =	sadd.s32 $0xFFFFFEF7, lr;
	s5 =	simm.s32 $0xFFFFFFFF;
	p2 =	slt.u32 s8, $0xFFFFF086  }
0x1c: {  	p1 =	slt.u32 s9, $0xF7A;
	s5 =	simm.s32 @!p2 $0x0  }
0x1d: {  	s5 =	simm.s32 @p1 $0x1;
	p0 =	seq.s32 s7, s2  }
0x1e: {  	s7 =	smul.u32 @!p0 $0xF7A, s2;
	p2 =	seq.s32 @!p0 s5, $0x0  }
0x1f: {  	s9 =	smul.u32 $0xF7A, s1;
	s8 =	simm.s32 @!p0 $0x1BF5;
	p2 =	por !p2, p0  }
0x20: {  	[sflag:s8] =	ssyncset.s32 @!p0 $0xFFFFF086;
	s6 =	sadd.s32 @!p0 s3, s7;
	s7 =	simm.s32 @!p0 $0x108  }
0x21: {  	s3 =	sadd.s32 s3, s9;
	s6 =	sadd.s32 @!p0 $0x88, s6;
	s7 =	simm.s32 @p2 $0x1082  }
0x22: {  	[simem:s7], [sflag:s8] =	dma.local @!p0 [hbm:s6], $0xF7A  }
0x23: {  	s9 =	sor.u32 $0xD0000000, s2;
	s6 =	simm.s32 $0x108;
	_ =	swait.ge @!p0 [sflag:s8], $0x0  }
0x24: {  	s3 =	sadd.s32 $0x88, s3;
	s6 =	simm.s32 @!p1 $0x1082;
	[sflag:s4] =	ssyncset.s32 $0xFFFFF086  }
0x25: {  	[simem:s6], [sflag:s4] =	dma.local [hbm:s3], $0xF7A  }
0x26: {  	[smem:$0x3F9B] =	sst s1;
	(tag) =	ssettag s2;
	_ =	strace s9  }
0x27: {  	s1 =	sld [smem:$0x3FAB]  }
0x28: {  	s2 =	sld [smem:$0x3FAC]  }
0x29: {  	s4 =	sld [smem:$0x3FAE]  }
0x2a: {  	p0 =	seq.s32 s5, $0x0;
	s5 =	sld [smem:$0x3FAF]  }
0x2b: {  	s6 =	sld [smem:$0x3FB0]  }
0x2c: {  	s7 =	sld [smem:$0x3FB1]  }
0x2d: {  	s3 =	simm.s32 $0x108;
	s8 =	sld [smem:$0x3FB2]  }
0x2e: {  	s3 =	simm.s32 @!p0 $0x1082;
	s9 =	sld [smem:$0x3FB3]  }
0x2f: {  	lr =	sadd.s32 s0, s3;
	s0 =	sld [smem:$0x3FAA]  }
0x30: {  	s3 =	sld [smem:$0x3FAD]  }
0x31: {  	[smem:$0x3FB6] =	sst s10  }
0x32: {  	s10 =	sld [smem:$0x3FB4];
	_ =	sdelay $0x3  }
0x33: {  	p0 =	seq.s32 s10, $0x1;
	s10 =	sld [smem:$0x3FB6];
	_ =	sdelay $0x3  }
0x34: {  	[smem:$0x3FB6] =	sst s10  }
0x35: {  	s10 =	sld [smem:$0x3FB5];
	_ =	sdelay $0x3  }
0x36: {  	p1 =	seq.s32 s10, $0x1;
	s10 =	sld [smem:$0x3FB6];
	_ =	sdelay $0x3  }
0x37: {  	[smem:$0x3FB6] =	sst s10  }
0x38: {  	s10 =	sld [smem:$0x3FB7]  }
0x39: {  	_ = 	snop;
	(pc) =	sbr.ind lr, $3  }
0x3a: {  	_ = 	snop  }
0x3b: {  	_ = 	snop  }
0x3c: {  	p2 =	seq.s32 s10, $0x1;
	s10 =	sld [smem:$0x3FB6]  }
0x3d: {  	_ =	shalt  }
0x3e: {  	_ =	shalt  }
0x3f: {  	_ =	shalt  }
0x40: {  	_ =	shalt  }
0x41: {  	_ =	shalt  }
0x42: {  	_ =	shalt  }
0x43: {  	_ =	shalt  }
0x44: {  	_ =	shalt  }
0x45: {  	_ =	shalt  }
0x46: {  	_ =	shalt  }
0x47: {  	_ =	shalt  }
0x48: {  	_ =	shalt  }
0x49: {  	_ =	shalt  }
0x4a: {  	_ =	shalt  }
0x4b: {  	_ =	shalt  }
0x4c: {  	_ =	shalt  }
0x4d: {  	_ =	shalt  }
0x4e: {  	_ =	shalt  }
0x4f: {  	_ =	shalt  }
0x50: {  	_ =	shalt  }
0x51: {  	_ =	shalt  }
0x52: {  	_ =	shalt  }
0x53: {  	_ =	shalt  }
0x54: {  	_ =	shalt  }
0x55: {  	_ =	shalt  }
0x56: {  	_ =	shalt  }
0x57: {  	_ =	shalt  }
0x58: {  	_ =	shalt  }
0x59: {  	_ =	shalt  }
0x5a: {  	_ =	shalt  }
0x5b: {  	_ =	shalt  }
0x5c: {  	_ =	shalt  }
0x5d: {  	_ =	shalt  }
0x5e: {  	_ =	shalt  }
0x5f: {  	_ =	shalt  }
0x60: {  	_ =	shalt  }
0x61: {  	_ =	shalt  }
0x62: {  	_ =	shalt  }
0x63: {  	_ =	shalt  }
0x64: {  	_ =	shalt  }
0x65: {  	_ =	shalt  }
0x66: {  	_ =	shalt  }
0x67: {  	_ =	shalt  }
0x68: {  	_ =	shalt  }
0x69: {  	_ =	shalt  }
0x6a: {  	_ =	shalt  }
0x6b: {  	_ =	shalt  }
0x6c: {  	_ =	shalt  }
0x6d: {  	_ =	shalt  }
0x6e: {  	_ =	shalt  }
0x6f: {  	_ =	shalt  }
0x70: {  	_ =	shalt  }
0x71: {  	_ =	shalt  }
0x72: {  	_ =	shalt  }
0x73: {  	_ =	shalt  }
0x74: {  	_ =	shalt  }
0x75: {  	_ =	shalt  }
0x76: {  	_ =	shalt  }
0x77: {  	_ =	shalt  }
0x78: {  	_ =	shalt  }
0x79: {  	_ =	shalt  }
0x7a: {  	_ =	shalt  }
0x7b: {  	_ =	shalt  }
0x7c: {  	_ =	shalt  }
0x7d: {  	_ =	shalt  }
0x7e: {  	_ =	shalt  }
0x7f: {  	_ =	shalt  }
0x80: {  	_ =	shalt  }
0x81: {  	_ =	shalt  }
0x82: {  	_ =	shalt  }
0x83: {  	_ =	shalt  }
0x84: {  	_ =	shalt  }
0x85: {  	_ =	shalt  }
0x86: {  	_ =	shalt  }
0x87: {  	_ =	shalt  }
.Lfunc_end0:
.L_simem_size_0:
called_computation_lowered:
.L_overlay_start_0:
0x88: {  	s2 =	sld [smem:$0x3FD9]  }
0x89: {  	s3 =	sld [smem:$0x3FFE];
	_ =	sdelay $0x1  }
0x8a: {  	s1 =	srdreg.scid  }
0x8b: {  	s0 =	sand.u32 $0x1, s1  }
0x8c: {  	s17 =	sshll.u32 s0, $0xA;
	s2 =	sadd.s32 s3, s2  }
0x8d: {  	s2 =	sadd.s32 s2, s17  }
0x8e: {  	[smem:$0x3FC2] =	sst s2  }
0x8f: {  	_ = 	snop  }
0x90: {  	s2 =	sld [smem:$0x3FD0];
	(tm) =	ssettm $0x1  }
0x91: {  	s18 =	sld [smem:$0x3FFB];
	_ =	sdelay $0x3  }
0x92: {  	_ =	strace s18  }
0x93: {  	s3 =	sld [smem:$0x3FFC];
	_ =	sdelay $0x3  }
0x94: {  	_ =	strace s3  }
0x95: {  	s3 =	sld [smem:$0x3FFD];
	_ =	sdelay $0x3  }
0x96: {  	_ =	strace s3  }
0x97: {  	_ =	strace $0x8FFFFFFF  }
0x98: {  	s19 =	sld [smem:$0x3FDB];
	_ =	sdelay $0x1  }
0x99: {  	s4 =	simm.s32 $_scs_section_size  }
0x9a: {  	s5 =	simm.s32 $_size__tile_overlayer_lowered;
	s6 =	simm.s32 $_tile_overlayer_lowered  }
0x9b: {  	s22 =	simm.s32 $0x1BFF;
	s21 =	sshll.u32 s6, $0x1;
	s3 =	sadd.s32 s4, s19  }
0x9c: {  	s7 =	simm.s32 $0x0;
	s20 =	sshll.u32 s5, $0x1;
	s5 =	sadd.s32 s21, s3  }
0x9d: {  	[timem:s7], [sflag:s22] =	dma.local [hbm:s5], s20  }
0x9e: {  	_ =	swait.ge [sflag:s22], s20  }
0x9f: {  	s4 =	ssub.s32 $0x0, s20;
	[sflag:s22] =	ssyncset.done $0x0  }
0xa0: {  	[sflag:s22] =	ssyncadd.s32 s4;
	_ =	sdelay $0x1  }
0xa1: {  	s23 =	simm.s32 $0x1B8B  }
0xa2: {  	_ =	swait.ge [sflag:s23], $0x1  }
0xa3: {  	[sflag:s23] =	ssyncset.done $0x0  }
0xa4: {  	s25 =	simm.s32 $0x1B8E;
	s24 =	sld [smem:$0x3FFE];
	[sflag:s23] =	ssyncadd.s32 $0xFFFFFFFF  }
0xa5: {  	s26 =	simm.s32 $execute0_lowered;
	[smem:$0x3FD2] =	sst s25  }
0xa6: {  	s5 =	sshll.u32 s26, $0x1;
	_ =	strace $0x80000046;
	[dreg:$0x1] =	wrdreg $0xFFFFFFFF  }
0xa7: {  	s28 =	simm.s32 $_size_execute0_lowered;
	s3 =	sadd.s32 s3, s5;
	[dreg:$0x0] =	wrdreg $0x0  }
0xa8: {  	s5 =	sshll.u32 s28, $0x1;
	[dreg:$0x2] =	wrdreg s3  }
0xa9: {  	[dreg:$0x3] =	wrdreg s5  }
0xaa: {  	[dreg:$0x4] =	wrdreg $0xC0  }
0xab: {  	_ =	task [dreg:s7], $0x5FFFF  }
0xac: {  	[dreg:$0x1] =	wrdreg $0xFFFFFFFF  }
0xad: {  	[dreg:$0x0] =	wrdreg $0x60  }
0xae: {  	[dreg:$0x2] =	wrdreg s2  }
0xaf: {  	[dreg:$0x3] =	wrdreg s24  }
0xb0: {  	[dreg:$0x4] =	wrdreg $0x53000  }
0xb1: {  	[dreg:$0x5] =	wrdreg $0x9  }
0xb2: {  	_ =	task.clear_ibuf [dreg:s7], $0x6FFFF;
	_ =	strace $0x90000046  }
0xb3: {  	s29 =	simm.s32 $0x9;
	_ =	strace $0x80000048  }
0xb4: {  	_ =	swait.ge [sflag:s29], $0x1  }
0xb5: {  	[sflag:s29] =	ssyncadd.s32 $0xFFFFFFFF  }
0xb6: {  	_ =	strace $0x90000048  }
0xb7: {  	_ =	sfence  }
0xb8: {  	s30 =	sld [smem:$0x0];
	_ =	sdelay $0x2  }
0xb9: {  	s31 =	sshll.u32 s1, $0xD;
	s1 =	sshrl.u32 s1, $0x2  }
0xba: {  	s3 =	sand.u32 $0x4000, s31;
	s1 =	sadd.s32 s1, s30  }
0xbb: {  	s0 =	sor.u32 s3, s0;
	s1 =	sshll.u32 s1, $0x11  }
0xbc: {  	s0 =	sor.u32 s1, s0  }
0xbd: {  	s0 =	sadd.s32 $0x8F2B, s0  }
0xbe: {  	[sflag:s0] =	ssyncadd.remote.s32 $0x1  }
0xbf: {  	_ =	sfence.sel $0xFFFF  }
0xc0: {  	[dreg:$0x0] =	wrdreg $0xFFFFFFFF;
	(pc) =	sbr.abs _section_cstart, $3  }
0xc1: {  	[dreg:$0x1] =	wrdreg $0xFFFFFFFF  }
0xc2: {  	_ =	task.clear_ibuf [dreg:s7], $0x2FFFF;
	_ =	strace $0x9FFFFFFF  }
0xc3: {  	(tm) =	ssettm $0x7FFFFFFF  }
tec
execute0_lowered:
.L_overlay_start_1:
0x0: {  	(tag) =	ssettag $0x1  }
0x1: {  	s6 =	rddreg [dreg:$0x0]  }
0x2: {  	s5 =	rddreg [dreg:$0x1]  }
0x3: {  	s2 =	rddreg [dreg:$0x2]  }
0x4: {  	s0 =	rddreg [dreg:$0x3];
	s4 =	srdreg.scid  }
0x5: {  	s1 =	stileid.u32;
	s3 =	simm.s32 $0x0;
	s13 =	simm.s32 $0x20  }
0x6: {  	s14 =	simm.s32 $0x10;
	s15 =	simm.s32 $0x0;
	s7 =	smul.u32 $0x500, s1  }
0x7: {  	s4 =	sand.u32 $0x1, s4;
	[smem:$0x7FF] =	sst s3;
	s9 =	smul.u32 $0xA00, s1  }
0x8: {  	s11 =	sshll.u32 s1, $0x6;
	s8 =	sshll.u32 s4, $0x7;
	s30 =	ssub.s32 $0x2, s4  }
0x9: {  	_ =	strace $0x80000047;
	s11 =	sor.u32 $0x1C01, s11;
	s7 =	sor.u32 s8, s7  }
0xa: {  	s10 =	sshrl.u32 s30, $0x1;
	s31 =	sshrl.u32 s9, $0x2;
	s6 =	sadd.s32 s6, s9  }
0xb: {  	s9 =	simm.s32 $0x5000;
	s7 =	sshrl.u32 s7, $0x3;
	s8 =	ssub.s32 s30, s10  }
0xc: {  	s10 =	simm.s32 $0x1;
	s7 =	sadd.s32 s7, s5;
	s5 =	sadd.s32 s31, s2  }
0xd: {  	v0 =	vimm.f32 $0.0e+00;
	v1 =	vimm.f32 $1.000000000e+00;
	s8 =	smax.u32 s8, $0x1;
	s7 =	sadd.s32 $0xD000, s7;
	s12 =	sshrl.u32 s5, $0x3  }
.LBB2_1:
0xe: {  	[tilespmem:$0x5000] =	vst v0  }
0xf: {  	[tilespmem:$0x5010] =	vst v0  }
0x10: {  	[tilespmem:$0x5020] =	vst v0  }
0x11: {  	[tilespmem:$0x5030] =	vst v0  }
0x12: {  	[tilespmem:$0x5040] =	vst v0  }
0x13: {  	[tilespmem:$0x5050] =	vst v0  }
0x14: {  	[tilespmem:$0x5060] =	vst v0  }
0x15: {  	[tilespmem:$0x5070] =	vst v0  }
0x16: {  	[tilespmem:$0x5080] =	vst v0  }
0x17: {  	[tilespmem:$0x5090] =	vst v0  }
0x18: {  	[tilespmem:$0x50A0] =	vst v0  }
0x19: {  	[tilespmem:$0x50B0] =	vst v0  }
0x1a: {  	[tilespmem:$0x50C0] =	vst v0  }
0x1b: {  	[tilespmem:$0x50D0] =	vst v0  }
0x1c: {  	[tilespmem:$0x50E0] =	vst v0  }
0x1d: {  	[tilespmem:$0x50F0] =	vst v0  }
0x1e: {  	[tilespmem:$0x5100] =	vst v0  }
0x1f: {  	[tilespmem:$0x5110] =	vst v0  }
0x20: {  	[tilespmem:$0x5120] =	vst v0  }
0x21: {  	[tilespmem:$0x5130] =	vst v0  }
0x22: {  	[tilespmem:$0x5140] =	vst v0  }
0x23: {  	[tilespmem:$0x5150] =	vst v0  }
0x24: {  	[tilespmem:$0x5160] =	vst v0  }
0x25: {  	[tilespmem:$0x5170] =	vst v0  }
0x26: {  	[tilespmem:$0x5180] =	vst v0  }
0x27: {  	[tilespmem:$0x5190] =	vst v0  }
0x28: {  	[tilespmem:$0x51A0] =	vst v0  }
0x29: {  	[tilespmem:$0x51B0] =	vst v0  }
0x2a: {  	[tilespmem:$0x51C0] =	vst v0  }
0x2b: {  	[tilespmem:$0x51D0] =	vst v0  }
0x2c: {  	[tilespmem:$0x51E0] =	vst v0  }
0x2d: {  	[tilespmem:$0x51F0] =	vst v0  }
0x2e: {  	[tilespmem:$0x5200] =	vst v0  }
0x2f: {  	[tilespmem:$0x5210] =	vst v0  }
0x30: {  	[tilespmem:$0x5220] =	vst v0  }
0x31: {  	[tilespmem:$0x5230] =	vst v0  }
0x32: {  	[tilespmem:$0x5240] =	vst v0  }
0x33: {  	[tilespmem:$0x5250] =	vst v0  }
0x34: {  	[tilespmem:$0x5260] =	vst v0  }
0x35: {  	[tilespmem:$0x5270] =	vst v0  }
0x36: {  	[tilespmem:$0x5280] =	vst v1  }
0x37: {  	[tilespmem:$0x5290] =	vst v1  }
0x38: {  	[tilespmem:$0x52A0] =	vst v1  }
0x39: {  	[tilespmem:$0x52B0] =	vst v1  }
0x3a: {  	[tilespmem:$0x52C0] =	vst v1  }
0x3b: {  	[tilespmem:$0x52D0] =	vst v1  }
0x3c: {  	[tilespmem:$0x52E0] =	vst v1  }
0x3d: {  	[tilespmem:$0x52F0] =	vst v1  }
0x3e: {  	[spmem:s5] =	stream.linear.scatter [tilespmem:s9], [sflag:$0x1], $0x280, $0x38;
	[tilespmem:$0x5580] =	vst v63  }
0x3f: {  	_ =	swait.ge [sflag:s10], $0x280  }
0x40: {  	[sflag:s10] =	ssyncset.done $0x0  }
0x41: {  	[sflag:s10] =	ssyncadd.s32 $0xFFFFFD80  }
0x42: {  	s16 =	sand.u32 $0x1, s3;
	[bflag:$0x0] =	sbarrier.arrive $0xFFFF  }
0x43: {  	[tilespmem:s3], [sflag:$0x1] =	stream.linear.gather [hbm4b:s6+s3], $0x4E80, $0x38;
	[tilespmem:$0x5580] =	vst v63  }
0x44: {  	p0 =	sne.s32 s16, s4;
	_ =	swait.ge [sflag:s10], $0x4E80  }
0x45: {  	s16 =	simm.s32 @!p0 $0x80;
	[sflag:s10] =	ssyncset.done $0x0  }
0x46: {  	s17 =	simm.s32 @!p0 $0x5280;
	s19 =	simm.s32 @!p0 $0x1;
	[sflag:s10] =	ssyncadd.s32 $0xFFFFB180  }
0x47: {  	[spmem:s2] =	stream.indirect.scatter.add.f32 @!p0 [tilespmem:s17], [sflag:$0x1], $0x1, s3, s16, $0xb8;
	[tilespmem:$0x5580] =	vst v63  }
0x48: {  	s18 =	simm.s32 $0x2;
	_ =	swait.ge @!p0 [sflag:s19], $0x80  }
0x49: {  	s17 =	simm.s32 $0x1;
	s16 =	simm.s32 $0x80;
	[sflag:s19] =	ssyncset.done @!p0 $0x0  }
.LBB2_2:
0x4a: {  	s20 =	sand.u32 $0x1, s17;
	s17 =	smov.u32 s18;
	s18 =	sadd.s32 $0x1, s18  }
0x4b: {  	[sflag:s19] =	ssyncadd.s32 @!p0 $0xFFFFFF80;
	p1 =	sne.s32 s18, $0x9D  }
.Ltmp0:
0x4c: {  	p0 =	sne.s32 s20, s4;
	(pc) =	sbr.rel @p1 .LBB2_2-.Ltmp0, $4  }
0x4d: {  	s20 =	simm.s32 @!p0 $0x80;
	s21 =	simm.s32 @!p0 $0x5280;
	s19 =	simm.s32 @!p0 $0x1  }
0x4e: {  	[spmem:s2] =	stream.indirect.scatter.add.f32 @!p0 [tilespmem:s21], [sflag:$0x1], $0x1, s16, s20, $0xb8;
	[tilespmem:$0x5580] =	vst v63  }
0x4f: {  	_ =	swait.ge @!p0 [sflag:s19], $0x80  }
0x50: {  	s16 =	sadd.s32 $0x80, s16;
	[sflag:s19] =	ssyncset.done @!p0 $0x0  }
0x51: {  	s17 =	sand.u32 $0x1, s17  }
0x52: {  	[sflag:s19] =	ssyncadd.s32 @!p0 $0xFFFFFF80;
	p0 =	sne.s32 s17, s4  }
0x53: {  	s17 =	simm.s32 @!p0 $0x80;
	s18 =	simm.s32 @!p0 $0x5280;
	s19 =	simm.s32 @!p0 $0x1  }
0x54: {  	[spmem:s2] =	stream.indirect.scatter.add.f32 @!p0 [tilespmem:s18], [sflag:$0x1], $0x1, s16, s17, $0xb8;
	[tilespmem:$0x5580] =	vst v63  }
0x55: {  	_ =	swait.ge @!p0 [sflag:s19], $0x80  }
0x56: {  	s15 =	sadd.s32 $0x1, s15;
	[sflag:s19] =	ssyncset.done @!p0 $0x0  }
0x57: {  	[sflag:s19] =	ssyncadd.s32 @!p0 $0xFFFFFF80;
	p0 =	sne.s32 s15, s8  }
.Ltmp1:
0x58: {  	[bflag:$0x0] =	sbarrier.arrive $0xFFFF;
	(pc) =	sbr.rel @p0 .LBB2_1-.Ltmp1, $4  }
0x59: {  	[hbm:s7@s13], [sflag:s11] =	dma.strided [spmem:s12@s14], $0x50, s10, $0x10   }
0x5a: {  	_ =	swait.ge [sflag:s10], $0x50  }
0x5b: {  	[sflag:s10] =	ssyncset.done $0x0  }
0x5c: {  	[sflag:s10] =	ssyncadd.s32 $0xFFFFFFB0  }
0x5d: {  	_ =	sfence.sel $0x180000  }
0x5e: {  	[bflag:$0x0] =	sbarrier.arrive $0xFFFF  }
0x5f: {  	p0 =	sne.s32 s1, $0x0;
	_ =	strace $0x90000047  }
0x60: {  	s0 =	sadd.s32 @!p0 $0x100000, s0;
	[bflag:$0x2] =	sbarrier.arrive $0xFFFF  }
0x61: {  	[sflag:s0] =	ssyncadd.tile.s32 @!p0 $0x1;
	_ =	shalt  }
.Lfunc_end2:
_tile_overlayer_lowered:
.L_overlay_start_2:
0x62: {  	(tag) =	ssettag $0x2  }
0x63: {  	s0 =	rddreg [dreg:$0x0];
	s2 =	stileid.u32  }
0x64: {  	s1 =	rddreg [dreg:$0x1];
	p0 =	sne.s32 s2, $0x0  }
0x65: {  	s3 =	rddreg [dreg:$0x2];
	[bflag:$0x3] =	sbarrier.arrive $0xFFFF;
	s2 =	simm.s32 @!p0 $0x1C01  }
0x66: {  	[timem:s3], [sflag:s2] =	dma.local @!p0 [hbm:s0], s1  }
0x67: {  	s0 =	simm.s32 @!p0 $0x1  }
0x68: {  	_ =	swait.ge @!p0 [sflag:s0], s1  }
0x69: {  	s1 =	ssub.s32 @!p0 $0x0, s1;
	[sflag:s0] =	ssyncset.done @!p0 $0x0  }
0x6a: {  	[sflag:s0] =	ssyncadd.s32 @!p0 s1  }
0x6b: {  	[bflag:$0x3] =	sbarrier.arrive $0xFFFF  }
0x6c: {  	_ =	shalt  }

</sc_bundles>
